<compile_context>
chip_gen: v7x
topology: tpu7x:2x2x1
jax: 0.10.2.dev20260603
libtpu: 0.0.44.dev20260713+nightly
codegen_flags: <defaults>
</compile_context>

<pallas_src>
import functools

import jax
import jax.numpy as jnp
from jax import lax
from jax.experimental import pallas as pl
from jax.experimental.pallas import tpu as pltpu
from jax.experimental.pallas import tpu_sc as plsc

_GA = 128
_SB = 32
_R = 4


@functools.cache
def _build(b, k, d, n_table_rows):
    mesh = plsc.VectorSubcoreMesh(core_axis_name="c", subcore_axis_name="s")
    n_workers = 32
    gb = k - _GA
    rows_per_w = b // n_workers
    n_blocks = rows_per_w // _SB

    @functools.partial(
        pl.kernel,
        out_type=jax.ShapeDtypeStruct((b, k, d), jnp.float32),
        mesh=mesh,
        scratch_types=[
            pltpu.VMEM((2, _SB, k), jnp.int32),
            pltpu.VMEM((_R, k, d), jnp.float32),
            pltpu.SemaphoreType.DMA,
            pltpu.SemaphoreType.DMA,
            pltpu.SemaphoreType.DMA,
        ],
    )
    def body(table_hbm, idx_hbm, out_hbm, idx_v, rs_v,
             isem, gsem, osem):
        wid = lax.axis_index("s") * 2 + lax.axis_index("c")
        wrow = wid * rows_per_w

        pltpu.make_async_copy(
            idx_hbm.at[pl.ds(wrow, _SB)], idx_v.at[0], isem).start()

        def do_block(ib, _):
            row0 = wrow + ib * _SB
            cur = lax.rem(ib, 2)
            pltpu.make_async_copy(
                idx_hbm.at[pl.ds(row0, _SB)], idx_v.at[cur], isem).wait()

            @pl.when(ib + 1 < n_blocks)
            def _prefetch():
                pltpu.make_async_copy(
                    idx_hbm.at[pl.ds(row0 + _SB, _SB)],
                    idx_v.at[1 - cur], isem).start()

            def do_group(g, _):
                j0 = g * _R
                for r in range(_R):
                    pltpu.make_async_copy(
                        table_hbm.at[idx_v.at[cur, j0 + r, pl.ds(0, _GA)]],
                        rs_v.at[r, pl.ds(0, _GA)], gsem).start()
                    pltpu.make_async_copy(
                        table_hbm.at[idx_v.at[cur, j0 + r, pl.ds(_GA, gb)]],
                        rs_v.at[r, pl.ds(_GA, gb)], gsem).start()
                for r in range(_R):
                    pltpu.make_async_copy(
                        table_hbm.at[idx_v.at[cur, j0 + r, pl.ds(0, _GA)]],
                        rs_v.at[r, pl.ds(0, _GA)], gsem).wait()
                    pltpu.make_async_copy(
                        table_hbm.at[idx_v.at[cur, j0 + r, pl.ds(_GA, gb)]],
                        rs_v.at[r, pl.ds(_GA, gb)], gsem).wait()
                    pltpu.make_async_copy(
                        rs_v.at[r],
                        out_hbm.at[row0 + j0 + r],
                        osem).start()
                for r in range(_R):
                    pltpu.make_async_copy(
                        rs_v.at[r],
                        out_hbm.at[row0 + j0 + r],
                        osem).wait()
                return ()

            lax.fori_loop(0, _SB // _R, do_group, (), unroll=False)
            return ()

        lax.fori_loop(0, n_blocks, do_block, (), unroll=False)

    return body


def kernel(idx, id_table):
    b, k = idx.shape
    n_table_rows, d = id_table.shape
    return _build(b, k, d, n_table_rows)(id_table, idx.astype(jnp.int32))

# --- scband reference (transcript-rebuilt; emitter-appended) ---
"""Pipeline reference for scband-augmented-gene-embedding-14070312862232 (READ-ONLY COPY).

The authoritative reference and input builder live on the scoring server;
editing this copy changes nothing except your own understanding.
"""

import jax, jax.numpy as jnp
import numpy as np

N_GENES = 100000
ID_DIM = 128
BATCH = 16384
HIST = 200

def setup_inputs(seed: int = 0) -> dict:
    key = jax.random.key(seed)
    k_idx, k_tab = jax.random.split(key)
    idx = jax.random.randint(k_idx, (BATCH, HIST), 0, N_GENES, dtype=jnp.int64)
    # learned parameter: trainable ID embedding table (esm_matrix_path=None -> no ESM branch)
    id_table = jax.random.normal(k_tab, (N_GENES, ID_DIM), dtype=jnp.float32)
    return {"idx": idx, "id_table": id_table}

def reference(idx, id_table):
    # AugmentedGeneEmbedding.forward with has_esm=False: just nn.Embedding lookup
    # (B, K) -> (B, K, id_dim)
    id_vec = jnp.take(id_table, idx, axis=0)
    return id_vec

if __name__ == "__main__":
    import jax
    _d = setup_inputs()
    print(jax.jit(kernel)(*tuple(_d.values())))

</pallas_src>

<mosaic_0001>
#map = affine_map<(d0, d1) -> (0, 0)>
#map1 = affine_map<(d0, d1) -> (0, 0, 0)>
module attributes {stable_mosaic.version = 14 : i64} {
  func.func @body(%arg0: i32, %arg1: i32, %arg2: memref<100000x128xf32, #tpu.memory_space<hbm>>, %arg3: memref<16384x200xi32, #tpu.memory_space<hbm>>, %arg4: memref<16384x200x128xf32, #tpu.memory_space<hbm>>, %arg5: memref<2x32x200xi32, #tpu.memory_space<vmem>>, %arg6: memref<4x200x128xf32, #tpu.memory_space<vmem>>, %arg7: memref<!tpu.dma_semaphore, #tpu.memory_space<semaphore_mem>>, %arg8: memref<!tpu.dma_semaphore, #tpu.memory_space<semaphore_mem>>, %arg9: memref<!tpu.dma_semaphore, #tpu.memory_space<semaphore_mem>>) attributes {dimension_semantics = [#tpu.dimension_semantics<core_parallel>, #tpu.dimension_semantics<subcore_parallel>], iteration_bounds = array<i64: 2, 16>, scalar_prefetch = 0 : i64, scratch_operands = 5 : i64, tpu.core_type = #tpu.core_type<sc_vector_subcore>, window_params = [{transform_indices = #map}, {transform_indices = #map}, {transform_indices = #map1}]} {
    %mul3A = arith.constant 2 : i32
    %mul3A_0 = arith.muli %arg1, %mul3A : i32
    %add3A = arith.addi %mul3A_0, %arg0 : i32
    %mul3A_1 = arith.constant 512 : i32
    %mul3A_2 = arith.muli %add3A, %mul3A_1 : i32
    %dma_start3A = arith.constant 0 : i32
    %dma_start3A_3 = arith.constant 0 : i32
    %dma_start3A_4 = arith.constant 0 : i32
    %dma_start3A_5 = tpu.memref_slice %arg5[%dma_start3A, %dma_start3A_3, %dma_start3A_4] : memref<2x32x200xi32, #tpu.memory_space<vmem>> -> memref<1x32x200xi32, #tpu.memory_space<vmem>>
    %dma_start3A_6 = tpu.memref_squeeze %dma_start3A_5 : memref<1x32x200xi32, #tpu.memory_space<vmem>> -> memref<32x200xi32, #tpu.memory_space<vmem>>
    %dma_start3A_7 = arith.constant 0 : i32
    %dma_start3A_8 = tpu.memref_slice %arg3[%mul3A_2, %dma_start3A_7] : memref<16384x200xi32, #tpu.memory_space<hbm>> -> memref<32x200xi32, #tpu.memory_space<hbm>>
    %dma_start3A_9 = arith.constant 0 : i32
    %dma_start3A_10 = arith.constant 0 : i32
    %dma_start3A_11 = tpu.memref_slice %arg5[%dma_start3A, %dma_start3A_9, %dma_start3A_10] : memref<2x32x200xi32, #tpu.memory_space<vmem>> -> memref<1x32x200xi32, #tpu.memory_space<vmem>>
    %dma_start3A_12 = tpu.memref_squeeze %dma_start3A_11 : memref<1x32x200xi32, #tpu.memory_space<vmem>> -> memref<32x200xi32, #tpu.memory_space<vmem>>
    %dma_start3A_13 = arith.constant 0 : i32
    %dma_start3A_14 = tpu.memref_slice %arg3[%mul3A_2, %dma_start3A_13] : memref<16384x200xi32, #tpu.memory_space<hbm>> -> memref<32x200xi32, #tpu.memory_space<hbm>>
    tpu.enqueue_dma source(%dma_start3A_14 : memref<32x200xi32, #tpu.memory_space<hbm>>) target(%dma_start3A_12 : memref<32x200xi32, #tpu.memory_space<vmem>>) target_semaphore(%arg7 : memref<!tpu.dma_semaphore, #tpu.memory_space<semaphore_mem>>)
    %scan3A = arith.constant 0 : i32
    %scan3A_15 = arith.constant 16 : i32
    %scan3A_16 = arith.addi %scan3A, %scan3A_15 : i32
    %scan3A_17 = arith.constant 1 : i32
    scf.for %scan3A_19 = %scan3A to %scan3A_16 step %scan3A_17  : i32 {
      %mul3A_20 = arith.constant 32 : i32
      %mul3A_21 = arith.muli %scan3A_19, %mul3A_20 : i32
      %add3A_22 = arith.addi %mul3A_2, %mul3A_21 : i32
      %rem3A = arith.constant 2 : i32
      %rem3A_23 = arith.remsi %scan3A_19, %rem3A : i32
      %dma_wait3A = arith.constant 0 : i32
      %dma_wait3A_24 = arith.constant 0 : i32
      %dma_wait3A_25 = tpu.memref_slice %arg5[%rem3A_23, %dma_wait3A, %dma_wait3A_24] : memref<2x32x200xi32, #tpu.memory_space<vmem>> -> memref<1x32x200xi32, #tpu.memory_space<vmem>>
      %dma_wait3A_26 = tpu.memref_squeeze %dma_wait3A_25 : memref<1x32x200xi32, #tpu.memory_space<vmem>> -> memref<32x200xi32, #tpu.memory_space<vmem>>
      %dma_wait3A_27 = arith.constant 0 : i32
      %dma_wait3A_28 = tpu.memref_slice %arg3[%add3A_22, %dma_wait3A_27] : memref<16384x200xi32, #tpu.memory_space<hbm>> -> memref<32x200xi32, #tpu.memory_space<hbm>>
      %dma_wait3A_29 = arith.constant 0 : i32
      %dma_wait3A_30 = arith.constant 0 : i32
      %dma_wait3A_31 = tpu.memref_slice %arg5[%rem3A_23, %dma_wait3A_29, %dma_wait3A_30] : memref<2x32x200xi32, #tpu.memory_space<vmem>> -> memref<1x32x200xi32, #tpu.memory_space<vmem>>
      %dma_wait3A_32 = tpu.memref_squeeze %dma_wait3A_31 : memref<1x32x200xi32, #tpu.memory_space<vmem>> -> memref<32x200xi32, #tpu.memory_space<vmem>>
      %dma_wait3A_33 = arith.constant 0 : i32
      %dma_wait3A_34 = tpu.memref_slice %arg3[%add3A_22, %dma_wait3A_33] : memref<16384x200xi32, #tpu.memory_space<hbm>> -> memref<32x200xi32, #tpu.memory_space<hbm>>
      tpu.wait_dma2 semaphore(%arg7 : memref<!tpu.dma_semaphore, #tpu.memory_space<semaphore_mem>>) src(%dma_wait3A_34 : memref<32x200xi32, #tpu.memory_space<hbm>>) dst(%dma_wait3A_32 : memref<32x200xi32, #tpu.memory_space<vmem>>)
      %add3A_35 = arith.constant 1 : i32
      %add3A_36 = arith.addi %scan3A_19, %add3A_35 : i32
      %lt3A = arith.constant 16 : i32
      %lt3A_37 = arith.cmpi slt, %add3A_36, %lt3A : i32
      %convert_element_type3A = arith.extui %lt3A_37 : i1 to i32
      %cond3A = arith.constant 0 : i32
      %cond3A_38 = arith.cmpi ne, %convert_element_type3A, %cond3A : i32
      scf.if %cond3A_38 {
        %add3A_44 = arith.constant 32 : i32
        %add3A_45 = arith.addi %add3A_22, %add3A_44 : i32
        %sub3A = arith.constant 1 : i32
        %sub3A_46 = arith.subi %sub3A, %rem3A_23 : i32
        %dma_start3A_47 = arith.constant 0 : i32
        %dma_start3A_48 = arith.constant 0 : i32
        %dma_start3A_49 = tpu.memref_slice %arg5[%sub3A_46, %dma_start3A_47, %dma_start3A_48] : memref<2x32x200xi32, #tpu.memory_space<vmem>> -> memref<1x32x200xi32, #tpu.memory_space<vmem>>
        %dma_start3A_50 = tpu.memref_squeeze %dma_start3A_49 : memref<1x32x200xi32, #tpu.memory_space<vmem>> -> memref<32x200xi32, #tpu.memory_space<vmem>>
        %dma_start3A_51 = arith.constant 0 : i32
        %dma_start3A_52 = tpu.memref_slice %arg3[%add3A_45, %dma_start3A_51] : memref<16384x200xi32, #tpu.memory_space<hbm>> -> memref<32x200xi32, #tpu.memory_space<hbm>>
        %dma_start3A_53 = arith.constant 0 : i32
        %dma_start3A_54 = arith.constant 0 : i32
        %dma_start3A_55 = tpu.memref_slice %arg5[%sub3A_46, %dma_start3A_53, %dma_start3A_54] : memref<2x32x200xi32, #tpu.memory_space<vmem>> -> memref<1x32x200xi32, #tpu.memory_space<vmem>>
        %dma_start3A_56 = tpu.memref_squeeze %dma_start3A_55 : memref<1x32x200xi32, #tpu.memory_space<vmem>> -> memref<32x200xi32, #tpu.memory_space<vmem>>
        %dma_start3A_57 = arith.constant 0 : i32
        %dma_start3A_58 = tpu.memref_slice %arg3[%add3A_45, %dma_start3A_57] : memref<16384x200xi32, #tpu.memory_space<hbm>> -> memref<32x200xi32, #tpu.memory_space<hbm>>
        tpu.enqueue_dma source(%dma_start3A_58 : memref<32x200xi32, #tpu.memory_space<hbm>>) target(%dma_start3A_56 : memref<32x200xi32, #tpu.memory_space<vmem>>) target_semaphore(%arg7 : memref<!tpu.dma_semaphore, #tpu.memory_space<semaphore_mem>>)
      } else {
      }
      %scan3A_39 = arith.constant 0 : i32
      %scan3A_40 = arith.constant 8 : i32
      %scan3A_41 = arith.addi %scan3A_39, %scan3A_40 : i32
      %scan3A_42 = arith.constant 1 : i32
      scf.for %scan3A_44 = %scan3A_39 to %scan3A_41 step %scan3A_42  : i32 {
        %mul3A_45 = arith.constant 4 : i32
        %mul3A_46 = arith.muli %scan3A_44, %mul3A_45 : i32
        %add3A_47 = arith.constant 0 : i32
        %add3A_48 = arith.addi %mul3A_46, %add3A_47 : i32
        %dma_start3A_49 = arith.constant 0 : i32
        %dma_start3A_50 = arith.constant 0 : i32
        %dma_start3A_51 = arith.constant 0 : i32
        %dma_start3A_52 = tpu.memref_slice %arg6[%dma_start3A_49, %dma_start3A_50, %dma_start3A_51] : memref<4x200x128xf32, #tpu.memory_space<vmem>> -> memref<1x128x128xf32, #tpu.memory_space<vmem>>
        %dma_start3A_53 = tpu.memref_squeeze %dma_start3A_52 : memref<1x128x128xf32, #tpu.memory_space<vmem>> -> memref<128x128xf32, #tpu.memory_space<vmem>>
        %dma_start3A_54 = arith.constant 0 : i32
        %dma_start3A_55 = tpu.memref_slice %arg5[%rem3A_23, %add3A_48, %dma_start3A_54] : memref<2x32x200xi32, #tpu.memory_space<vmem>> -> memref<1x1x128xi32, #tpu.memory_space<vmem>>
        %dma_start3A_56 = tpu.memref_squeeze %dma_start3A_55 : memref<1x1x128xi32, #tpu.memory_space<vmem>> -> memref<128xi32, #tpu.memory_space<vmem>>
        %dma_start3A_57 = arith.constant 0 : i32
        %dma_start3A_58 = arith.constant 0 : i32
        %dma_start3A_59 = tpu.memref_slice %arg2[%dma_start3A_57, %dma_start3A_58] : memref<100000x128xf32, #tpu.memory_space<hbm>> -> memref<100000x128xf32, #tpu.memory_space<hbm>>
        tpu.enqueue_indirect_dma source(%dma_start3A_59 : memref<100000x128xf32, #tpu.memory_space<hbm>>) target(%dma_start3A_53 : memref<128x128xf32, #tpu.memory_space<vmem>>) offsets(%dma_start3A_56 : memref<128xi32, #tpu.memory_space<vmem>>) semaphore(%arg8 : memref<!tpu.dma_semaphore, #tpu.memory_space<semaphore_mem>>)
        %add3A_60 = arith.constant 0 : i32
        %add3A_61 = arith.addi %mul3A_46, %add3A_60 : i32
        %dma_start3A_62 = arith.constant 0 : i32
        %dma_start3A_63 = arith.constant 128 : i32
        %dma_start3A_64 = arith.constant 0 : i32
        %dma_start3A_65 = tpu.memref_slice %arg6[%dma_start3A_62, %dma_start3A_63, %dma_start3A_64] : memref<4x200x128xf32, #tpu.memory_space<vmem>> -> memref<1x72x128xf32, #tpu.memory_space<vmem>>
        %dma_start3A_66 = tpu.memref_squeeze %dma_start3A_65 : memref<1x72x128xf32, #tpu.memory_space<vmem>> -> memref<72x128xf32, #tpu.memory_space<vmem>>
        %dma_start3A_67 = arith.constant 128 : i32
        %dma_start3A_68 = tpu.memref_slice %arg5[%rem3A_23, %add3A_61, %dma_start3A_67] : memref<2x32x200xi32, #tpu.memory_space<vmem>> -> memref<1x1x72xi32, #tpu.memory_space<vmem>>
        %dma_start3A_69 = tpu.memref_squeeze %dma_start3A_68 : memref<1x1x72xi32, #tpu.memory_space<vmem>> -> memref<72xi32, #tpu.memory_space<vmem>>
        %dma_start3A_70 = arith.constant 0 : i32
        %dma_start3A_71 = arith.constant 0 : i32
        %dma_start3A_72 = tpu.memref_slice %arg2[%dma_start3A_70, %dma_start3A_71] : memref<100000x128xf32, #tpu.memory_space<hbm>> -> memref<100000x128xf32, #tpu.memory_space<hbm>>
        tpu.enqueue_indirect_dma source(%dma_start3A_72 : memref<100000x128xf32, #tpu.memory_space<hbm>>) target(%dma_start3A_66 : memref<72x128xf32, #tpu.memory_space<vmem>>) offsets(%dma_start3A_69 : memref<72xi32, #tpu.memory_space<vmem>>) semaphore(%arg8 : memref<!tpu.dma_semaphore, #tpu.memory_space<semaphore_mem>>)
        %add3A_73 = arith.constant 1 : i32
        %add3A_74 = arith.addi %mul3A_46, %add3A_73 : i32
        %dma_start3A_75 = arith.constant 1 : i32
        %dma_start3A_76 = arith.constant 0 : i32
        %dma_start3A_77 = arith.constant 0 : i32
        %dma_start3A_78 = tpu.memref_slice %arg6[%dma_start3A_75, %dma_start3A_76, %dma_start3A_77] : memref<4x200x128xf32, #tpu.memory_space<vmem>> -> memref<1x128x128xf32, #tpu.memory_space<vmem>>
        %dma_start3A_79 = tpu.memref_squeeze %dma_start3A_78 : memref<1x128x128xf32, #tpu.memory_space<vmem>> -> memref<128x128xf32, #tpu.memory_space<vmem>>
        %dma_start3A_80 = arith.constant 0 : i32
        %dma_start3A_81 = tpu.memref_slice %arg5[%rem3A_23, %add3A_74, %dma_start3A_80] : memref<2x32x200xi32, #tpu.memory_space<vmem>> -> memref<1x1x128xi32, #tpu.memory_space<vmem>>
        %dma_start3A_82 = tpu.memref_squeeze %dma_start3A_81 : memref<1x1x128xi32, #tpu.memory_space<vmem>> -> memref<128xi32, #tpu.memory_space<vmem>>
        %dma_start3A_83 = arith.constant 0 : i32
        %dma_start3A_84 = arith.constant 0 : i32
        %dma_start3A_85 = tpu.memref_slice %arg2[%dma_start3A_83, %dma_start3A_84] : memref<100000x128xf32, #tpu.memory_space<hbm>> -> memref<100000x128xf32, #tpu.memory_space<hbm>>
        tpu.enqueue_indirect_dma source(%dma_start3A_85 : memref<100000x128xf32, #tpu.memory_space<hbm>>) target(%dma_start3A_79 : memref<128x128xf32, #tpu.memory_space<vmem>>) offsets(%dma_start3A_82 : memref<128xi32, #tpu.memory_space<vmem>>) semaphore(%arg8 : memref<!tpu.dma_semaphore, #tpu.memory_space<semaphore_mem>>)
        %add3A_86 = arith.constant 1 : i32
        %add3A_87 = arith.addi %mul3A_46, %add3A_86 : i32
        %dma_start3A_88 = arith.constant 1 : i32
        %dma_start3A_89 = arith.constant 128 : i32
        %dma_start3A_90 = arith.constant 0 : i32
        %dma_start3A_91 = tpu.memref_slice %arg6[%dma_start3A_88, %dma_start3A_89, %dma_start3A_90] : memref<4x200x128xf32, #tpu.memory_space<vmem>> -> memref<1x72x128xf32, #tpu.memory_space<vmem>>
        %dma_start3A_92 = tpu.memref_squeeze %dma_start3A_91 : memref<1x72x128xf32, #tpu.memory_space<vmem>> -> memref<72x128xf32, #tpu.memory_space<vmem>>
        %dma_start3A_93 = arith.constant 128 : i32
        %dma_start3A_94 = tpu.memref_slice %arg5[%rem3A_23, %add3A_87, %dma_start3A_93] : memref<2x32x200xi32, #tpu.memory_space<vmem>> -> memref<1x1x72xi32, #tpu.memory_space<vmem>>
        %dma_start3A_95 = tpu.memref_squeeze %dma_start3A_94 : memref<1x1x72xi32, #tpu.memory_space<vmem>> -> memref<72xi32, #tpu.memory_space<vmem>>
        %dma_start3A_96 = arith.constant 0 : i32
        %dma_start3A_97 = arith.constant 0 : i32
        %dma_start3A_98 = tpu.memref_slice %arg2[%dma_start3A_96, %dma_start3A_97] : memref<100000x128xf32, #tpu.memory_space<hbm>> -> memref<100000x128xf32, #tpu.memory_space<hbm>>
        tpu.enqueue_indirect_dma source(%dma_start3A_98 : memref<100000x128xf32, #tpu.memory_space<hbm>>) target(%dma_start3A_92 : memref<72x128xf32, #tpu.memory_space<vmem>>) offsets(%dma_start3A_95 : memref<72xi32, #tpu.memory_space<vmem>>) semaphore(%arg8 : memref<!tpu.dma_semaphore, #tpu.memory_space<semaphore_mem>>)
        %add3A_99 = arith.constant 2 : i32
        %add3A_100 = arith.addi %mul3A_46, %add3A_99 : i32
        %dma_start3A_101 = arith.constant 2 : i32
        %dma_start3A_102 = arith.constant 0 : i32
        %dma_start3A_103 = arith.constant 0 : i32
        %dma_start3A_104 = tpu.memref_slice %arg6[%dma_start3A_101, %dma_start3A_102, %dma_start3A_103] : memref<4x200x128xf32, #tpu.memory_space<vmem>> -> memref<1x128x128xf32, #tpu.memory_space<vmem>>
        %dma_start3A_105 = tpu.memref_squeeze %dma_start3A_104 : memref<1x128x128xf32, #tpu.memory_space<vmem>> -> memref<128x128xf32, #tpu.memory_space<vmem>>
        %dma_start3A_106 = arith.constant 0 : i32
        %dma_start3A_107 = tpu.memref_slice %arg5[%rem3A_23, %add3A_100, %dma_start3A_106] : memref<2x32x200xi32, #tpu.memory_space<vmem>> -> memref<1x1x128xi32, #tpu.memory_space<vmem>>
        %dma_start3A_108 = tpu.memref_squeeze %dma_start3A_107 : memref<1x1x128xi32, #tpu.memory_space<vmem>> -> memref<128xi32, #tpu.memory_space<vmem>>
        %dma_start3A_109 = arith.constant 0 : i32
        %dma_start3A_110 = arith.constant 0 : i32
        %dma_start3A_111 = tpu.memref_slice %arg2[%dma_start3A_109, %dma_start3A_110] : memref<100000x128xf32, #tpu.memory_space<hbm>> -> memref<100000x128xf32, #tpu.memory_space<hbm>>
        tpu.enqueue_indirect_dma source(%dma_start3A_111 : memref<100000x128xf32, #tpu.memory_space<hbm>>) target(%dma_start3A_105 : memref<128x128xf32, #tpu.memory_space<vmem>>) offsets(%dma_start3A_108 : memref<128xi32, #tpu.memory_space<vmem>>) semaphore(%arg8 : memref<!tpu.dma_semaphore, #tpu.memory_space<semaphore_mem>>)
        %add3A_112 = arith.constant 2 : i32
        %add3A_113 = arith.addi %mul3A_46, %add3A_112 : i32
        %dma_start3A_114 = arith.constant 2 : i32
        %dma_start3A_115 = arith.constant 128 : i32
        %dma_start3A_116 = arith.constant 0 : i32
        %dma_start3A_117 = tpu.memref_slice %arg6[%dma_start3A_114, %dma_start3A_115, %dma_start3A_116] : memref<4x200x128xf32, #tpu.memory_space<vmem>> -> memref<1x72x128xf32, #tpu.memory_space<vmem>>
        %dma_start3A_118 = tpu.memref_squeeze %dma_start3A_117 : memref<1x72x128xf32, #tpu.memory_space<vmem>> -> memref<72x128xf32, #tpu.memory_space<vmem>>
        %dma_start3A_119 = arith.constant 128 : i32
        %dma_start3A_120 = tpu.memref_slice %arg5[%rem3A_23, %add3A_113, %dma_start3A_119] : memref<2x32x200xi32, #tpu.memory_space<vmem>> -> memref<1x1x72xi32, #tpu.memory_space<vmem>>
        %dma_start3A_121 = tpu.memref_squeeze %dma_start3A_120 : memref<1x1x72xi32, #tpu.memory_space<vmem>> -> memref<72xi32, #tpu.memory_space<vmem>>
        %dma_start3A_122 = arith.constant 0 : i32
        %dma_start3A_123 = arith.constant 0 : i32
        %dma_start3A_124 = tpu.memref_slice %arg2[%dma_start3A_122, %dma_start3A_123] : memref<100000x128xf32, #tpu.memory_space<hbm>> -> memref<100000x128xf32, #tpu.memory_space<hbm>>
        tpu.enqueue_indirect_dma source(%dma_start3A_124 : memref<100000x128xf32, #tpu.memory_space<hbm>>) target(%dma_start3A_118 : memref<72x128xf32, #tpu.memory_space<vmem>>) offsets(%dma_start3A_121 : memref<72xi32, #tpu.memory_space<vmem>>) semaphore(%arg8 : memref<!tpu.dma_semaphore, #tpu.memory_space<semaphore_mem>>)
        %add3A_125 = arith.constant 3 : i32
        %add3A_126 = arith.addi %mul3A_46, %add3A_125 : i32
        %dma_start3A_127 = arith.constant 3 : i32
        %dma_start3A_128 = arith.constant 0 : i32
        %dma_start3A_129 = arith.constant 0 : i32
        %dma_start3A_130 = tpu.memref_slice %arg6[%dma_start3A_127, %dma_start3A_128, %dma_start3A_129] : memref<4x200x128xf32, #tpu.memory_space<vmem>> -> memref<1x128x128xf32, #tpu.memory_space<vmem>>
        %dma_start3A_131 = tpu.memref_squeeze %dma_start3A_130 : memref<1x128x128xf32, #tpu.memory_space<vmem>> -> memref<128x128xf32, #tpu.memory_space<vmem>>
        %dma_start3A_132 = arith.constant 0 : i32
        %dma_start3A_133 = tpu.memref_slice %arg5[%rem3A_23, %add3A_126, %dma_start3A_132] : memref<2x32x200xi32, #tpu.memory_space<vmem>> -> memref<1x1x128xi32, #tpu.memory_space<vmem>>
        %dma_start3A_134 = tpu.memref_squeeze %dma_start3A_133 : memref<1x1x128xi32, #tpu.memory_space<vmem>> -> memref<128xi32, #tpu.memory_space<vmem>>
        %dma_start3A_135 = arith.constant 0 : i32
        %dma_start3A_136 = arith.constant 0 : i32
        %dma_start3A_137 = tpu.memref_slice %arg2[%dma_start3A_135, %dma_start3A_136] : memref<100000x128xf32, #tpu.memory_space<hbm>> -> memref<100000x128xf32, #tpu.memory_space<hbm>>
        tpu.enqueue_indirect_dma source(%dma_start3A_137 : memref<100000x128xf32, #tpu.memory_space<hbm>>) target(%dma_start3A_131 : memref<128x128xf32, #tpu.memory_space<vmem>>) offsets(%dma_start3A_134 : memref<128xi32, #tpu.memory_space<vmem>>) semaphore(%arg8 : memref<!tpu.dma_semaphore, #tpu.memory_space<semaphore_mem>>)
        %add3A_138 = arith.constant 3 : i32
        %add3A_139 = arith.addi %mul3A_46, %add3A_138 : i32
        %dma_start3A_140 = arith.constant 3 : i32
        %dma_start3A_141 = arith.constant 128 : i32
        %dma_start3A_142 = arith.constant 0 : i32
        %dma_start3A_143 = tpu.memref_slice %arg6[%dma_start3A_140, %dma_start3A_141, %dma_start3A_142] : memref<4x200x128xf32, #tpu.memory_space<vmem>> -> memref<1x72x128xf32, #tpu.memory_space<vmem>>
        %dma_start3A_144 = tpu.memref_squeeze %dma_start3A_143 : memref<1x72x128xf32, #tpu.memory_space<vmem>> -> memref<72x128xf32, #tpu.memory_space<vmem>>
        %dma_start3A_145 = arith.constant 128 : i32
        %dma_start3A_146 = tpu.memref_slice %arg5[%rem3A_23, %add3A_139, %dma_start3A_145] : memref<2x32x200xi32, #tpu.memory_space<vmem>> -> memref<1x1x72xi32, #tpu.memory_space<vmem>>
        %dma_start3A_147 = tpu.memref_squeeze %dma_start3A_146 : memref<1x1x72xi32, #tpu.memory_space<vmem>> -> memref<72xi32, #tpu.memory_space<vmem>>
        %dma_start3A_148 = arith.constant 0 : i32
        %dma_start3A_149 = arith.constant 0 : i32
        %dma_start3A_150 = tpu.memref_slice %arg2[%dma_start3A_148, %dma_start3A_149] : memref<100000x128xf32, #tpu.memory_space<hbm>> -> memref<100000x128xf32, #tpu.memory_space<hbm>>
        tpu.enqueue_indirect_dma source(%dma_start3A_150 : memref<100000x128xf32, #tpu.memory_space<hbm>>) target(%dma_start3A_144 : memref<72x128xf32, #tpu.memory_space<vmem>>) offsets(%dma_start3A_147 : memref<72xi32, #tpu.memory_space<vmem>>) semaphore(%arg8 : memref<!tpu.dma_semaphore, #tpu.memory_space<semaphore_mem>>)
        %add3A_151 = arith.constant 0 : i32
        %add3A_152 = arith.addi %mul3A_46, %add3A_151 : i32
        %dma_wait3A_153 = arith.constant 0 : i32
        %dma_wait3A_154 = arith.constant 0 : i32
        %dma_wait3A_155 = arith.constant 0 : i32
        %dma_wait3A_156 = tpu.memref_slice %arg6[%dma_wait3A_153, %dma_wait3A_154, %dma_wait3A_155] : memref<4x200x128xf32, #tpu.memory_space<vmem>> -> memref<1x128x128xf32, #tpu.memory_space<vmem>>
        %dma_wait3A_157 = tpu.memref_squeeze %dma_wait3A_156 : memref<1x128x128xf32, #tpu.memory_space<vmem>> -> memref<128x128xf32, #tpu.memory_space<vmem>>
        %dma_wait3A_158 = arith.constant 0 : i32
        %dma_wait3A_159 = tpu.memref_slice %arg5[%rem3A_23, %add3A_152, %dma_wait3A_158] : memref<2x32x200xi32, #tpu.memory_space<vmem>> -> memref<1x1x128xi32, #tpu.memory_space<vmem>>
        %dma_wait3A_160 = tpu.memref_squeeze %dma_wait3A_159 : memref<1x1x128xi32, #tpu.memory_space<vmem>> -> memref<128xi32, #tpu.memory_space<vmem>>
        %dma_wait3A_161 = arith.constant 0 : i32
        %dma_wait3A_162 = arith.constant 0 : i32
        %dma_wait3A_163 = tpu.memref_slice %arg2[%dma_wait3A_161, %dma_wait3A_162] : memref<100000x128xf32, #tpu.memory_space<hbm>> -> memref<100000x128xf32, #tpu.memory_space<hbm>>
        tpu.wait_indirect_dma semaphore(%arg8 : memref<!tpu.dma_semaphore, #tpu.memory_space<semaphore_mem>>) src(%dma_wait3A_163 : memref<100000x128xf32, #tpu.memory_space<hbm>>) dst(%dma_wait3A_157 : memref<128x128xf32, #tpu.memory_space<vmem>>)
        %add3A_164 = arith.constant 0 : i32
        %add3A_165 = arith.addi %mul3A_46, %add3A_164 : i32
        %dma_wait3A_166 = arith.constant 0 : i32
        %dma_wait3A_167 = arith.constant 128 : i32
        %dma_wait3A_168 = arith.constant 0 : i32
        %dma_wait3A_169 = tpu.memref_slice %arg6[%dma_wait3A_166, %dma_wait3A_167, %dma_wait3A_168] : memref<4x200x128xf32, #tpu.memory_space<vmem>> -> memref<1x72x128xf32, #tpu.memory_space<vmem>>
        %dma_wait3A_170 = tpu.memref_squeeze %dma_wait3A_169 : memref<1x72x128xf32, #tpu.memory_space<vmem>> -> memref<72x128xf32, #tpu.memory_space<vmem>>
        %dma_wait3A_171 = arith.constant 128 : i32
        %dma_wait3A_172 = tpu.memref_slice %arg5[%rem3A_23, %add3A_165, %dma_wait3A_171] : memref<2x32x200xi32, #tpu.memory_space<vmem>> -> memref<1x1x72xi32, #tpu.memory_space<vmem>>
        %dma_wait3A_173 = tpu.memref_squeeze %dma_wait3A_172 : memref<1x1x72xi32, #tpu.memory_space<vmem>> -> memref<72xi32, #tpu.memory_space<vmem>>
        %dma_wait3A_174 = arith.constant 0 : i32
        %dma_wait3A_175 = arith.constant 0 : i32
        %dma_wait3A_176 = tpu.memref_slice %arg2[%dma_wait3A_174, %dma_wait3A_175] : memref<100000x128xf32, #tpu.memory_space<hbm>> -> memref<100000x128xf32, #tpu.memory_space<hbm>>
        tpu.wait_indirect_dma semaphore(%arg8 : memref<!tpu.dma_semaphore, #tpu.memory_space<semaphore_mem>>) src(%dma_wait3A_176 : memref<100000x128xf32, #tpu.memory_space<hbm>>) dst(%dma_wait3A_170 : memref<72x128xf32, #tpu.memory_space<vmem>>)
        %add3A_177 = arith.addi %add3A_22, %mul3A_46 : i32
        %add3A_178 = arith.constant 0 : i32
        %add3A_179 = arith.addi %add3A_177, %add3A_178 : i32
        %dma_start3A_180 = arith.constant 0 : i32
        %dma_start3A_181 = arith.constant 0 : i32
        %dma_start3A_182 = arith.constant 0 : i32
        %dma_start3A_183 = tpu.memref_slice %arg6[%dma_start3A_180, %dma_start3A_181, %dma_start3A_182] : memref<4x200x128xf32, #tpu.memory_space<vmem>> -> memref<1x200x128xf32, #tpu.memory_space<vmem>>
        %dma_start3A_184 = tpu.memref_squeeze %dma_start3A_183 : memref<1x200x128xf32, #tpu.memory_space<vmem>> -> memref<200x128xf32, #tpu.memory_space<vmem>>
        %dma_start3A_185 = arith.constant 0 : i32
        %dma_start3A_186 = arith.constant 0 : i32
        %dma_start3A_187 = tpu.memref_slice %arg4[%add3A_179, %dma_start3A_185, %dma_start3A_186] : memref<16384x200x128xf32, #tpu.memory_space<hbm>> -> memref<1x200x128xf32, #tpu.memory_space<hbm>>
        %dma_start3A_188 = tpu.memref_squeeze %dma_start3A_187 : memref<1x200x128xf32, #tpu.memory_space<hbm>> -> memref<200x128xf32, #tpu.memory_space<hbm>>
        %dma_start3A_189 = arith.constant 0 : i32
        %dma_start3A_190 = arith.constant 0 : i32
        %dma_start3A_191 = tpu.memref_slice %arg4[%add3A_179, %dma_start3A_189, %dma_start3A_190] : memref<16384x200x128xf32, #tpu.memory_space<hbm>> -> memref<1x200x128xf32, #tpu.memory_space<hbm>>
        %dma_start3A_192 = tpu.memref_squeeze %dma_start3A_191 : memref<1x200x128xf32, #tpu.memory_space<hbm>> -> memref<200x128xf32, #tpu.memory_space<hbm>>
        %dma_start3A_193 = arith.constant 0 : i32
        %dma_start3A_194 = arith.constant 0 : i32
        %dma_start3A_195 = tpu.memref_slice %arg6[%dma_start3A_180, %dma_start3A_193, %dma_start3A_194] : memref<4x200x128xf32, #tpu.memory_space<vmem>> -> memref<1x200x128xf32, #tpu.memory_space<vmem>>
        %dma_start3A_196 = tpu.memref_squeeze %dma_start3A_195 : memref<1x200x128xf32, #tpu.memory_space<vmem>> -> memref<200x128xf32, #tpu.memory_space<vmem>>
        tpu.enqueue_dma source(%dma_start3A_196 : memref<200x128xf32, #tpu.memory_space<vmem>>) target(%dma_start3A_192 : memref<200x128xf32, #tpu.memory_space<hbm>>) target_semaphore(%arg9 : memref<!tpu.dma_semaphore, #tpu.memory_space<semaphore_mem>>)
        %add3A_197 = arith.constant 1 : i32
        %add3A_198 = arith.addi %mul3A_46, %add3A_197 : i32
        %dma_wait3A_199 = arith.constant 1 : i32
        %dma_wait3A_200 = arith.constant 0 : i32
        %dma_wait3A_201 = arith.constant 0 : i32
        %dma_wait3A_202 = tpu.memref_slice %arg6[%dma_wait3A_199, %dma_wait3A_200, %dma_wait3A_201] : memref<4x200x128xf32, #tpu.memory_space<vmem>> -> memref<1x128x128xf32, #tpu.memory_space<vmem>>
        %dma_wait3A_203 = tpu.memref_squeeze %dma_wait3A_202 : memref<1x128x128xf32, #tpu.memory_space<vmem>> -> memref<128x128xf32, #tpu.memory_space<vmem>>
        %dma_wait3A_204 = arith.constant 0 : i32
        %dma_wait3A_205 = tpu.memref_slice %arg5[%rem3A_23, %add3A_198, %dma_wait3A_204] : memref<2x32x200xi32, #tpu.memory_space<vmem>> -> memref<1x1x128xi32, #tpu.memory_space<vmem>>
        %dma_wait3A_206 = tpu.memref_squeeze %dma_wait3A_205 : memref<1x1x128xi32, #tpu.memory_space<vmem>> -> memref<128xi32, #tpu.memory_space<vmem>>
        %dma_wait3A_207 = arith.constant 0 : i32
        %dma_wait3A_208 = arith.constant 0 : i32
        %dma_wait3A_209 = tpu.memref_slice %arg2[%dma_wait3A_207, %dma_wait3A_208] : memref<100000x128xf32, #tpu.memory_space<hbm>> -> memref<100000x128xf32, #tpu.memory_space<hbm>>
        tpu.wait_indirect_dma semaphore(%arg8 : memref<!tpu.dma_semaphore, #tpu.memory_space<semaphore_mem>>) src(%dma_wait3A_209 : memref<100000x128xf32, #tpu.memory_space<hbm>>) dst(%dma_wait3A_203 : memref<128x128xf32, #tpu.memory_space<vmem>>)
        %add3A_210 = arith.constant 1 : i32
        %add3A_211 = arith.addi %mul3A_46, %add3A_210 : i32
        %dma_wait3A_212 = arith.constant 1 : i32
        %dma_wait3A_213 = arith.constant 128 : i32
        %dma_wait3A_214 = arith.constant 0 : i32
        %dma_wait3A_215 = tpu.memref_slice %arg6[%dma_wait3A_212, %dma_wait3A_213, %dma_wait3A_214] : memref<4x200x128xf32, #tpu.memory_space<vmem>> -> memref<1x72x128xf32, #tpu.memory_space<vmem>>
        %dma_wait3A_216 = tpu.memref_squeeze %dma_wait3A_215 : memref<1x72x128xf32, #tpu.memory_space<vmem>> -> memref<72x128xf32, #tpu.memory_space<vmem>>
        %dma_wait3A_217 = arith.constant 128 : i32
        %dma_wait3A_218 = tpu.memref_slice %arg5[%rem3A_23, %add3A_211, %dma_wait3A_217] : memref<2x32x200xi32, #tpu.memory_space<vmem>> -> memref<1x1x72xi32, #tpu.memory_space<vmem>>
        %dma_wait3A_219 = tpu.memref_squeeze %dma_wait3A_218 : memref<1x1x72xi32, #tpu.memory_space<vmem>> -> memref<72xi32, #tpu.memory_space<vmem>>
        %dma_wait3A_220 = arith.constant 0 : i32
        %dma_wait3A_221 = arith.constant 0 : i32
        %dma_wait3A_222 = tpu.memref_slice %arg2[%dma_wait3A_220, %dma_wait3A_221] : memref<100000x128xf32, #tpu.memory_space<hbm>> -> memref<100000x128xf32, #tpu.memory_space<hbm>>
        tpu.wait_indirect_dma semaphore(%arg8 : memref<!tpu.dma_semaphore, #tpu.memory_space<semaphore_mem>>) src(%dma_wait3A_222 : memref<100000x128xf32, #tpu.memory_space<hbm>>) dst(%dma_wait3A_216 : memref<72x128xf32, #tpu.memory_space<vmem>>)
        %add3A_223 = arith.addi %add3A_22, %mul3A_46 : i32
        %add3A_224 = arith.constant 1 : i32
        %add3A_225 = arith.addi %add3A_223, %add3A_224 : i32
        %dma_start3A_226 = arith.constant 1 : i32
        %dma_start3A_227 = arith.constant 0 : i32
        %dma_start3A_228 = arith.constant 0 : i32
        %dma_start3A_229 = tpu.memref_slice %arg6[%dma_start3A_226, %dma_start3A_227, %dma_start3A_228] : memref<4x200x128xf32, #tpu.memory_space<vmem>> -> memref<1x200x128xf32, #tpu.memory_space<vmem>>
        %dma_start3A_230 = tpu.memref_squeeze %dma_start3A_229 : memref<1x200x128xf32, #tpu.memory_space<vmem>> -> memref<200x128xf32, #tpu.memory_space<vmem>>
        %dma_start3A_231 = arith.constant 0 : i32
        %dma_start3A_232 = arith.constant 0 : i32
        %dma_start3A_233 = tpu.memref_slice %arg4[%add3A_225, %dma_start3A_231, %dma_start3A_232] : memref<16384x200x128xf32, #tpu.memory_space<hbm>> -> memref<1x200x128xf32, #tpu.memory_space<hbm>>
        %dma_start3A_234 = tpu.memref_squeeze %dma_start3A_233 : memref<1x200x128xf32, #tpu.memory_space<hbm>> -> memref<200x128xf32, #tpu.memory_space<hbm>>
        %dma_start3A_235 = arith.constant 0 : i32
        %dma_start3A_236 = arith.constant 0 : i32
        %dma_start3A_237 = tpu.memref_slice %arg4[%add3A_225, %dma_start3A_235, %dma_start3A_236] : memref<16384x200x128xf32, #tpu.memory_space<hbm>> -> memref<1x200x128xf32, #tpu.memory_space<hbm>>
        %dma_start3A_238 = tpu.memref_squeeze %dma_start3A_237 : memref<1x200x128xf32, #tpu.memory_space<hbm>> -> memref<200x128xf32, #tpu.memory_space<hbm>>
        %dma_start3A_239 = arith.constant 0 : i32
        %dma_start3A_240 = arith.constant 0 : i32
        %dma_start3A_241 = tpu.memref_slice %arg6[%dma_start3A_226, %dma_start3A_239, %dma_start3A_240] : memref<4x200x128xf32, #tpu.memory_space<vmem>> -> memref<1x200x128xf32, #tpu.memory_space<vmem>>
        %dma_start3A_242 = tpu.memref_squeeze %dma_start3A_241 : memref<1x200x128xf32, #tpu.memory_space<vmem>> -> memref<200x128xf32, #tpu.memory_space<vmem>>
        tpu.enqueue_dma source(%dma_start3A_242 : memref<200x128xf32, #tpu.memory_space<vmem>>) target(%dma_start3A_238 : memref<200x128xf32, #tpu.memory_space<hbm>>) target_semaphore(%arg9 : memref<!tpu.dma_semaphore, #tpu.memory_space<semaphore_mem>>)
        %add3A_243 = arith.constant 2 : i32
        %add3A_244 = arith.addi %mul3A_46, %add3A_243 : i32
        %dma_wait3A_245 = arith.constant 2 : i32
        %dma_wait3A_246 = arith.constant 0 : i32
        %dma_wait3A_247 = arith.constant 0 : i32
        %dma_wait3A_248 = tpu.memref_slice %arg6[%dma_wait3A_245, %dma_wait3A_246, %dma_wait3A_247] : memref<4x200x128xf32, #tpu.memory_space<vmem>> -> memref<1x128x128xf32, #tpu.memory_space<vmem>>
        %dma_wait3A_249 = tpu.memref_squeeze %dma_wait3A_248 : memref<1x128x128xf32, #tpu.memory_space<vmem>> -> memref<128x128xf32, #tpu.memory_space<vmem>>
        %dma_wait3A_250 = arith.constant 0 : i32
        %dma_wait3A_251 = tpu.memref_slice %arg5[%rem3A_23, %add3A_244, %dma_wait3A_250] : memref<2x32x200xi32, #tpu.memory_space<vmem>> -> memref<1x1x128xi32, #tpu.memory_space<vmem>>
        %dma_wait3A_252 = tpu.memref_squeeze %dma_wait3A_251 : memref<1x1x128xi32, #tpu.memory_space<vmem>> -> memref<128xi32, #tpu.memory_space<vmem>>
        %dma_wait3A_253 = arith.constant 0 : i32
        %dma_wait3A_254 = arith.constant 0 : i32
        %dma_wait3A_255 = tpu.memref_slice %arg2[%dma_wait3A_253, %dma_wait3A_254] : memref<100000x128xf32, #tpu.memory_space<hbm>> -> memref<100000x128xf32, #tpu.memory_space<hbm>>
        tpu.wait_indirect_dma semaphore(%arg8 : memref<!tpu.dma_semaphore, #tpu.memory_space<semaphore_mem>>) src(%dma_wait3A_255 : memref<100000x128xf32, #tpu.memory_space<hbm>>) dst(%dma_wait3A_249 : memref<128x128xf32, #tpu.memory_space<vmem>>)
        %add3A_256 = arith.constant 2 : i32
        %add3A_257 = arith.addi %mul3A_46, %add3A_256 : i32
        %dma_wait3A_258 = arith.constant 2 : i32
        %dma_wait3A_259 = arith.constant 128 : i32
        %dma_wait3A_260 = arith.constant 0 : i32
        %dma_wait3A_261 = tpu.memref_slice %arg6[%dma_wait3A_258, %dma_wait3A_259, %dma_wait3A_260] : memref<4x200x128xf32, #tpu.memory_space<vmem>> -> memref<1x72x128xf32, #tpu.memory_space<vmem>>
        %dma_wait3A_262 = tpu.memref_squeeze %dma_wait3A_261 : memref<1x72x128xf32, #tpu.memory_space<vmem>> -> memref<72x128xf32, #tpu.memory_space<vmem>>
        %dma_wait3A_263 = arith.constant 128 : i32
        %dma_wait3A_264 = tpu.memref_slice %arg5[%rem3A_23, %add3A_257, %dma_wait3A_263] : memref<2x32x200xi32, #tpu.memory_space<vmem>> -> memref<1x1x72xi32, #tpu.memory_space<vmem>>
        %dma_wait3A_265 = tpu.memref_squeeze %dma_wait3A_264 : memref<1x1x72xi32, #tpu.memory_space<vmem>> -> memref<72xi32, #tpu.memory_space<vmem>>
        %dma_wait3A_266 = arith.constant 0 : i32
        %dma_wait3A_267 = arith.constant 0 : i32
        %dma_wait3A_268 = tpu.memref_slice %arg2[%dma_wait3A_266, %dma_wait3A_267] : memref<100000x128xf32, #tpu.memory_space<hbm>> -> memref<100000x128xf32, #tpu.memory_space<hbm>>
        tpu.wait_indirect_dma semaphore(%arg8 : memref<!tpu.dma_semaphore, #tpu.memory_space<semaphore_mem>>) src(%dma_wait3A_268 : memref<100000x128xf32, #tpu.memory_space<hbm>>) dst(%dma_wait3A_262 : memref<72x128xf32, #tpu.memory_space<vmem>>)
        %add3A_269 = arith.addi %add3A_22, %mul3A_46 : i32
        %add3A_270 = arith.constant 2 : i32
        %add3A_271 = arith.addi %add3A_269, %add3A_270 : i32
        %dma_start3A_272 = arith.constant 2 : i32
        %dma_start3A_273 = arith.constant 0 : i32
        %dma_start3A_274 = arith.constant 0 : i32
        %dma_start3A_275 = tpu.memref_slice %arg6[%dma_start3A_272, %dma_start3A_273, %dma_start3A_274] : memref<4x200x128xf32, #tpu.memory_space<vmem>> -> memref<1x200x128xf32, #tpu.memory_space<vmem>>
        %dma_start3A_276 = tpu.memref_squeeze %dma_start3A_275 : memref<1x200x128xf32, #tpu.memory_space<vmem>> -> memref<200x128xf32, #tpu.memory_space<vmem>>
        %dma_start3A_277 = arith.constant 0 : i32
        %dma_start3A_278 = arith.constant 0 : i32
        %dma_start3A_279 = tpu.memref_slice %arg4[%add3A_271, %dma_start3A_277, %dma_start3A_278] : memref<16384x200x128xf32, #tpu.memory_space<hbm>> -> memref<1x200x128xf32, #tpu.memory_space<hbm>>
        %dma_start3A_280 = tpu.memref_squeeze %dma_start3A_279 : memref<1x200x128xf32, #tpu.memory_space<hbm>> -> memref<200x128xf32, #tpu.memory_space<hbm>>
        %dma_start3A_281 = arith.constant 0 : i32
        %dma_start3A_282 = arith.constant 0 : i32
        %dma_start3A_283 = tpu.memref_slice %arg4[%add3A_271, %dma_start3A_281, %dma_start3A_282] : memref<16384x200x128xf32, #tpu.memory_space<hbm>> -> memref<1x200x128xf32, #tpu.memory_space<hbm>>
        %dma_start3A_284 = tpu.memref_squeeze %dma_start3A_283 : memref<1x200x128xf32, #tpu.memory_space<hbm>> -> memref<200x128xf32, #tpu.memory_space<hbm>>
        %dma_start3A_285 = arith.constant 0 : i32
        %dma_start3A_286 = arith.constant 0 : i32
        %dma_start3A_287 = tpu.memref_slice %arg6[%dma_start3A_272, %dma_start3A_285, %dma_start3A_286] : memref<4x200x128xf32, #tpu.memory_space<vmem>> -> memref<1x200x128xf32, #tpu.memory_space<vmem>>
        %dma_start3A_288 = tpu.memref_squeeze %dma_start3A_287 : memref<1x200x128xf32, #tpu.memory_space<vmem>> -> memref<200x128xf32, #tpu.memory_space<vmem>>
        tpu.enqueue_dma source(%dma_start3A_288 : memref<200x128xf32, #tpu.memory_space<vmem>>) target(%dma_start3A_284 : memref<200x128xf32, #tpu.memory_space<hbm>>) target_semaphore(%arg9 : memref<!tpu.dma_semaphore, #tpu.memory_space<semaphore_mem>>)
        %add3A_289 = arith.constant 3 : i32
        %add3A_290 = arith.addi %mul3A_46, %add3A_289 : i32
        %dma_wait3A_291 = arith.constant 3 : i32
        %dma_wait3A_292 = arith.constant 0 : i32
        %dma_wait3A_293 = arith.constant 0 : i32
        %dma_wait3A_294 = tpu.memref_slice %arg6[%dma_wait3A_291, %dma_wait3A_292, %dma_wait3A_293] : memref<4x200x128xf32, #tpu.memory_space<vmem>> -> memref<1x128x128xf32, #tpu.memory_space<vmem>>
        %dma_wait3A_295 = tpu.memref_squeeze %dma_wait3A_294 : memref<1x128x128xf32, #tpu.memory_space<vmem>> -> memref<128x128xf32, #tpu.memory_space<vmem>>
        %dma_wait3A_296 = arith.constant 0 : i32
        %dma_wait3A_297 = tpu.memref_slice %arg5[%rem3A_23, %add3A_290, %dma_wait3A_296] : memref<2x32x200xi32, #tpu.memory_space<vmem>> -> memref<1x1x128xi32, #tpu.memory_space<vmem>>
        %dma_wait3A_298 = tpu.memref_squeeze %dma_wait3A_297 : memref<1x1x128xi32, #tpu.memory_space<vmem>> -> memref<128xi32, #tpu.memory_space<vmem>>
        %dma_wait3A_299 = arith.constant 0 : i32
        %dma_wait3A_300 = arith.constant 0 : i32
        %dma_wait3A_301 = tpu.memref_slice %arg2[%dma_wait3A_299, %dma_wait3A_300] : memref<100000x128xf32, #tpu.memory_space<hbm>> -> memref<100000x128xf32, #tpu.memory_space<hbm>>
        tpu.wait_indirect_dma semaphore(%arg8 : memref<!tpu.dma_semaphore, #tpu.memory_space<semaphore_mem>>) src(%dma_wait3A_301 : memref<100000x128xf32, #tpu.memory_space<hbm>>) dst(%dma_wait3A_295 : memref<128x128xf32, #tpu.memory_space<vmem>>)
        %add3A_302 = arith.constant 3 : i32
        %add3A_303 = arith.addi %mul3A_46, %add3A_302 : i32
        %dma_wait3A_304 = arith.constant 3 : i32
        %dma_wait3A_305 = arith.constant 128 : i32
        %dma_wait3A_306 = arith.constant 0 : i32
        %dma_wait3A_307 = tpu.memref_slice %arg6[%dma_wait3A_304, %dma_wait3A_305, %dma_wait3A_306] : memref<4x200x128xf32, #tpu.memory_space<vmem>> -> memref<1x72x128xf32, #tpu.memory_space<vmem>>
        %dma_wait3A_308 = tpu.memref_squeeze %dma_wait3A_307 : memref<1x72x128xf32, #tpu.memory_space<vmem>> -> memref<72x128xf32, #tpu.memory_space<vmem>>
        %dma_wait3A_309 = arith.constant 128 : i32
        %dma_wait3A_310 = tpu.memref_slice %arg5[%rem3A_23, %add3A_303, %dma_wait3A_309] : memref<2x32x200xi32, #tpu.memory_space<vmem>> -> memref<1x1x72xi32, #tpu.memory_space<vmem>>
        %dma_wait3A_311 = tpu.memref_squeeze %dma_wait3A_310 : memref<1x1x72xi32, #tpu.memory_space<vmem>> -> memref<72xi32, #tpu.memory_space<vmem>>
        %dma_wait3A_312 = arith.constant 0 : i32
        %dma_wait3A_313 = arith.constant 0 : i32
        %dma_wait3A_314 = tpu.memref_slice %arg2[%dma_wait3A_312, %dma_wait3A_313] : memref<100000x128xf32, #tpu.memory_space<hbm>> -> memref<100000x128xf32, #tpu.memory_space<hbm>>
        tpu.wait_indirect_dma semaphore(%arg8 : memref<!tpu.dma_semaphore, #tpu.memory_space<semaphore_mem>>) src(%dma_wait3A_314 : memref<100000x128xf32, #tpu.memory_space<hbm>>) dst(%dma_wait3A_308 : memref<72x128xf32, #tpu.memory_space<vmem>>)
        %add3A_315 = arith.addi %add3A_22, %mul3A_46 : i32
        %add3A_316 = arith.constant 3 : i32
        %add3A_317 = arith.addi %add3A_315, %add3A_316 : i32
        %dma_start3A_318 = arith.constant 3 : i32
        %dma_start3A_319 = arith.constant 0 : i32
        %dma_start3A_320 = arith.constant 0 : i32
        %dma_start3A_321 = tpu.memref_slice %arg6[%dma_start3A_318, %dma_start3A_319, %dma_start3A_320] : memref<4x200x128xf32, #tpu.memory_space<vmem>> -> memref<1x200x128xf32, #tpu.memory_space<vmem>>
        %dma_start3A_322 = tpu.memref_squeeze %dma_start3A_321 : memref<1x200x128xf32, #tpu.memory_space<vmem>> -> memref<200x128xf32, #tpu.memory_space<vmem>>
        %dma_start3A_323 = arith.constant 0 : i32
        %dma_start3A_324 = arith.constant 0 : i32
        %dma_start3A_325 = tpu.memref_slice %arg4[%add3A_317, %dma_start3A_323, %dma_start3A_324] : memref<16384x200x128xf32, #tpu.memory_space<hbm>> -> memref<1x200x128xf32, #tpu.memory_space<hbm>>
        %dma_start3A_326 = tpu.memref_squeeze %dma_start3A_325 : memref<1x200x128xf32, #tpu.memory_space<hbm>> -> memref<200x128xf32, #tpu.memory_space<hbm>>
        %dma_start3A_327 = arith.constant 0 : i32
        %dma_start3A_328 = arith.constant 0 : i32
        %dma_start3A_329 = tpu.memref_slice %arg4[%add3A_317, %dma_start3A_327, %dma_start3A_328] : memref<16384x200x128xf32, #tpu.memory_space<hbm>> -> memref<1x200x128xf32, #tpu.memory_space<hbm>>
        %dma_start3A_330 = tpu.memref_squeeze %dma_start3A_329 : memref<1x200x128xf32, #tpu.memory_space<hbm>> -> memref<200x128xf32, #tpu.memory_space<hbm>>
        %dma_start3A_331 = arith.constant 0 : i32
        %dma_start3A_332 = arith.constant 0 : i32
        %dma_start3A_333 = tpu.memref_slice %arg6[%dma_start3A_318, %dma_start3A_331, %dma_start3A_332] : memref<4x200x128xf32, #tpu.memory_space<vmem>> -> memref<1x200x128xf32, #tpu.memory_space<vmem>>
        %dma_start3A_334 = tpu.memref_squeeze %dma_start3A_333 : memref<1x200x128xf32, #tpu.memory_space<vmem>> -> memref<200x128xf32, #tpu.memory_space<vmem>>
        tpu.enqueue_dma source(%dma_start3A_334 : memref<200x128xf32, #tpu.memory_space<vmem>>) target(%dma_start3A_330 : memref<200x128xf32, #tpu.memory_space<hbm>>) target_semaphore(%arg9 : memref<!tpu.dma_semaphore, #tpu.memory_space<semaphore_mem>>)
        %add3A_335 = arith.addi %add3A_22, %mul3A_46 : i32
        %add3A_336 = arith.constant 0 : i32
        %add3A_337 = arith.addi %add3A_335, %add3A_336 : i32
        %dma_wait3A_338 = arith.constant 0 : i32
        %dma_wait3A_339 = arith.constant 0 : i32
        %dma_wait3A_340 = arith.constant 0 : i32
        %dma_wait3A_341 = tpu.memref_slice %arg6[%dma_wait3A_338, %dma_wait3A_339, %dma_wait3A_340] : memref<4x200x128xf32, #tpu.memory_space<vmem>> -> memref<1x200x128xf32, #tpu.memory_space<vmem>>
        %dma_wait3A_342 = tpu.memref_squeeze %dma_wait3A_341 : memref<1x200x128xf32, #tpu.memory_space<vmem>> -> memref<200x128xf32, #tpu.memory_space<vmem>>
        %dma_wait3A_343 = arith.constant 0 : i32
        %dma_wait3A_344 = arith.constant 0 : i32
        %dma_wait3A_345 = tpu.memref_slice %arg4[%add3A_337, %dma_wait3A_343, %dma_wait3A_344] : memref<16384x200x128xf32, #tpu.memory_space<hbm>> -> memref<1x200x128xf32, #tpu.memory_space<hbm>>
        %dma_wait3A_346 = tpu.memref_squeeze %dma_wait3A_345 : memref<1x200x128xf32, #tpu.memory_space<hbm>> -> memref<200x128xf32, #tpu.memory_space<hbm>>
        %dma_wait3A_347 = arith.constant 0 : i32
        %dma_wait3A_348 = arith.constant 0 : i32
        %dma_wait3A_349 = tpu.memref_slice %arg4[%add3A_337, %dma_wait3A_347, %dma_wait3A_348] : memref<16384x200x128xf32, #tpu.memory_space<hbm>> -> memref<1x200x128xf32, #tpu.memory_space<hbm>>
        %dma_wait3A_350 = tpu.memref_squeeze %dma_wait3A_349 : memref<1x200x128xf32, #tpu.memory_space<hbm>> -> memref<200x128xf32, #tpu.memory_space<hbm>>
        %dma_wait3A_351 = arith.constant 0 : i32
        %dma_wait3A_352 = arith.constant 0 : i32
        %dma_wait3A_353 = tpu.memref_slice %arg6[%dma_wait3A_338, %dma_wait3A_351, %dma_wait3A_352] : memref<4x200x128xf32, #tpu.memory_space<vmem>> -> memref<1x200x128xf32, #tpu.memory_space<vmem>>
        %dma_wait3A_354 = tpu.memref_squeeze %dma_wait3A_353 : memref<1x200x128xf32, #tpu.memory_space<vmem>> -> memref<200x128xf32, #tpu.memory_space<vmem>>
        tpu.wait_dma2 semaphore(%arg9 : memref<!tpu.dma_semaphore, #tpu.memory_space<semaphore_mem>>) src(%dma_wait3A_354 : memref<200x128xf32, #tpu.memory_space<vmem>>) dst(%dma_wait3A_350 : memref<200x128xf32, #tpu.memory_space<hbm>>)
        %add3A_355 = arith.addi %add3A_22, %mul3A_46 : i32
        %add3A_356 = arith.constant 1 : i32
        %add3A_357 = arith.addi %add3A_355, %add3A_356 : i32
        %dma_wait3A_358 = arith.constant 1 : i32
        %dma_wait3A_359 = arith.constant 0 : i32
        %dma_wait3A_360 = arith.constant 0 : i32
        %dma_wait3A_361 = tpu.memref_slice %arg6[%dma_wait3A_358, %dma_wait3A_359, %dma_wait3A_360] : memref<4x200x128xf32, #tpu.memory_space<vmem>> -> memref<1x200x128xf32, #tpu.memory_space<vmem>>
        %dma_wait3A_362 = tpu.memref_squeeze %dma_wait3A_361 : memref<1x200x128xf32, #tpu.memory_space<vmem>> -> memref<200x128xf32, #tpu.memory_space<vmem>>
        %dma_wait3A_363 = arith.constant 0 : i32
        %dma_wait3A_364 = arith.constant 0 : i32
        %dma_wait3A_365 = tpu.memref_slice %arg4[%add3A_357, %dma_wait3A_363, %dma_wait3A_364] : memref<16384x200x128xf32, #tpu.memory_space<hbm>> -> memref<1x200x128xf32, #tpu.memory_space<hbm>>
        %dma_wait3A_366 = tpu.memref_squeeze %dma_wait3A_365 : memref<1x200x128xf32, #tpu.memory_space<hbm>> -> memref<200x128xf32, #tpu.memory_space<hbm>>
        %dma_wait3A_367 = arith.constant 0 : i32
        %dma_wait3A_368 = arith.constant 0 : i32
        %dma_wait3A_369 = tpu.memref_slice %arg4[%add3A_357, %dma_wait3A_367, %dma_wait3A_368] : memref<16384x200x128xf32, #tpu.memory_space<hbm>> -> memref<1x200x128xf32, #tpu.memory_space<hbm>>
        %dma_wait3A_370 = tpu.memref_squeeze %dma_wait3A_369 : memref<1x200x128xf32, #tpu.memory_space<hbm>> -> memref<200x128xf32, #tpu.memory_space<hbm>>
        %dma_wait3A_371 = arith.constant 0 : i32
        %dma_wait3A_372 = arith.constant 0 : i32
        %dma_wait3A_373 = tpu.memref_slice %arg6[%dma_wait3A_358, %dma_wait3A_371, %dma_wait3A_372] : memref<4x200x128xf32, #tpu.memory_space<vmem>> -> memref<1x200x128xf32, #tpu.memory_space<vmem>>
        %dma_wait3A_374 = tpu.memref_squeeze %dma_wait3A_373 : memref<1x200x128xf32, #tpu.memory_space<vmem>> -> memref<200x128xf32, #tpu.memory_space<vmem>>
        tpu.wait_dma2 semaphore(%arg9 : memref<!tpu.dma_semaphore, #tpu.memory_space<semaphore_mem>>) src(%dma_wait3A_374 : memref<200x128xf32, #tpu.memory_space<vmem>>) dst(%dma_wait3A_370 : memref<200x128xf32, #tpu.memory_space<hbm>>)
        %add3A_375 = arith.addi %add3A_22, %mul3A_46 : i32
        %add3A_376 = arith.constant 2 : i32
        %add3A_377 = arith.addi %add3A_375, %add3A_376 : i32
        %dma_wait3A_378 = arith.constant 2 : i32
        %dma_wait3A_379 = arith.constant 0 : i32
        %dma_wait3A_380 = arith.constant 0 : i32
        %dma_wait3A_381 = tpu.memref_slice %arg6[%dma_wait3A_378, %dma_wait3A_379, %dma_wait3A_380] : memref<4x200x128xf32, #tpu.memory_space<vmem>> -> memref<1x200x128xf32, #tpu.memory_space<vmem>>
        %dma_wait3A_382 = tpu.memref_squeeze %dma_wait3A_381 : memref<1x200x128xf32, #tpu.memory_space<vmem>> -> memref<200x128xf32, #tpu.memory_space<vmem>>
        %dma_wait3A_383 = arith.constant 0 : i32
        %dma_wait3A_384 = arith.constant 0 : i32
        %dma_wait3A_385 = tpu.memref_slice %arg4[%add3A_377, %dma_wait3A_383, %dma_wait3A_384] : memref<16384x200x128xf32, #tpu.memory_space<hbm>> -> memref<1x200x128xf32, #tpu.memory_space<hbm>>
        %dma_wait3A_386 = tpu.memref_squeeze %dma_wait3A_385 : memref<1x200x128xf32, #tpu.memory_space<hbm>> -> memref<200x128xf32, #tpu.memory_space<hbm>>
        %dma_wait3A_387 = arith.constant 0 : i32
        %dma_wait3A_388 = arith.constant 0 : i32
        %dma_wait3A_389 = tpu.memref_slice %arg4[%add3A_377, %dma_wait3A_387, %dma_wait3A_388] : memref<16384x200x128xf32, #tpu.memory_space<hbm>> -> memref<1x200x128xf32, #tpu.memory_space<hbm>>
        %dma_wait3A_390 = tpu.memref_squeeze %dma_wait3A_389 : memref<1x200x128xf32, #tpu.memory_space<hbm>> -> memref<200x128xf32, #tpu.memory_space<hbm>>
        %dma_wait3A_391 = arith.constant 0 : i32
        %dma_wait3A_392 = arith.constant 0 : i32
        %dma_wait3A_393 = tpu.memref_slice %arg6[%dma_wait3A_378, %dma_wait3A_391, %dma_wait3A_392] : memref<4x200x128xf32, #tpu.memory_space<vmem>> -> memref<1x200x128xf32, #tpu.memory_space<vmem>>
        %dma_wait3A_394 = tpu.memref_squeeze %dma_wait3A_393 : memref<1x200x128xf32, #tpu.memory_space<vmem>> -> memref<200x128xf32, #tpu.memory_space<vmem>>
        tpu.wait_dma2 semaphore(%arg9 : memref<!tpu.dma_semaphore, #tpu.memory_space<semaphore_mem>>) src(%dma_wait3A_394 : memref<200x128xf32, #tpu.memory_space<vmem>>) dst(%dma_wait3A_390 : memref<200x128xf32, #tpu.memory_space<hbm>>)
        %add3A_395 = arith.addi %add3A_22, %mul3A_46 : i32
        %add3A_396 = arith.constant 3 : i32
        %add3A_397 = arith.addi %add3A_395, %add3A_396 : i32
        %dma_wait3A_398 = arith.constant 3 : i32
        %dma_wait3A_399 = arith.constant 0 : i32
        %dma_wait3A_400 = arith.constant 0 : i32
        %dma_wait3A_401 = tpu.memref_slice %arg6[%dma_wait3A_398, %dma_wait3A_399, %dma_wait3A_400] : memref<4x200x128xf32, #tpu.memory_space<vmem>> -> memref<1x200x128xf32, #tpu.memory_space<vmem>>
        %dma_wait3A_402 = tpu.memref_squeeze %dma_wait3A_401 : memref<1x200x128xf32, #tpu.memory_space<vmem>> -> memref<200x128xf32, #tpu.memory_space<vmem>>
        %dma_wait3A_403 = arith.constant 0 : i32
        %dma_wait3A_404 = arith.constant 0 : i32
        %dma_wait3A_405 = tpu.memref_slice %arg4[%add3A_397, %dma_wait3A_403, %dma_wait3A_404] : memref<16384x200x128xf32, #tpu.memory_space<hbm>> -> memref<1x200x128xf32, #tpu.memory_space<hbm>>
        %dma_wait3A_406 = tpu.memref_squeeze %dma_wait3A_405 : memref<1x200x128xf32, #tpu.memory_space<hbm>> -> memref<200x128xf32, #tpu.memory_space<hbm>>
        %dma_wait3A_407 = arith.constant 0 : i32
        %dma_wait3A_408 = arith.constant 0 : i32
        %dma_wait3A_409 = tpu.memref_slice %arg4[%add3A_397, %dma_wait3A_407, %dma_wait3A_408] : memref<16384x200x128xf32, #tpu.memory_space<hbm>> -> memref<1x200x128xf32, #tpu.memory_space<hbm>>
        %dma_wait3A_410 = tpu.memref_squeeze %dma_wait3A_409 : memref<1x200x128xf32, #tpu.memory_space<hbm>> -> memref<200x128xf32, #tpu.memory_space<hbm>>
        %dma_wait3A_411 = arith.constant 0 : i32
        %dma_wait3A_412 = arith.constant 0 : i32
        %dma_wait3A_413 = tpu.memref_slice %arg6[%dma_wait3A_398, %dma_wait3A_411, %dma_wait3A_412] : memref<4x200x128xf32, #tpu.memory_space<vmem>> -> memref<1x200x128xf32, #tpu.memory_space<vmem>>
        %dma_wait3A_414 = tpu.memref_squeeze %dma_wait3A_413 : memref<1x200x128xf32, #tpu.memory_space<vmem>> -> memref<200x128xf32, #tpu.memory_space<vmem>>
        tpu.wait_dma2 semaphore(%arg9 : memref<!tpu.dma_semaphore, #tpu.memory_space<semaphore_mem>>) src(%dma_wait3A_414 : memref<200x128xf32, #tpu.memory_space<vmem>>) dst(%dma_wait3A_410 : memref<200x128xf32, #tpu.memory_space<hbm>>)
      }
      %scan3A_43 = arith.constant 8 : i32
    }
    %scan3A_18 = arith.constant 16 : i32
    return
  }
}

</mosaic_0001>

<sc_bundles>
// kernel: kernel.3.cloned.1.call-start
scs
__scs_entry_jumppad:
0x0: {  	(pc) =	sbr.rel $0x88, $3  }
0x1: {  	(tag) =	ssettag $0x0;
	lr =	simm.s32 $0x1  }
0x2: {  	[smem:$0x3F9F] =	sst lr;
	_ =	strace $0xD0000000  }
0x3: {  	_ = 	snop  }
0x4: {  	_ = 	snop  }
0x5: {  	_ = 	snop  }
0x6: {  	_ = 	snop  }
0x7: {  	_ = 	snop  }
__scs_overlays_trampoline_lowered:
0x8: {  	[smem:$0x3FAE] =	sst s0  }
0x9: {  	[smem:$0x3FAF] =	sst s1  }
0xa: {  	[smem:$0x3FB0] =	sst s2  }
0xb: {  	[smem:$0x3FB1] =	sst s3  }
0xc: {  	[smem:$0x3FB2] =	sst s4  }
0xd: {  	[smem:$0x3FB3] =	sst s5  }
0xe: {  	[smem:$0x3FB4] =	sst s6  }
0xf: {  	[smem:$0x3FB5] =	sst s7  }
0x10: {  	[smem:$0x3FB6] =	sst s8  }
0x11: {  	[smem:$0x3FB7] =	sst s9;
	s0 =	simm.s32 @!p0 $0x0  }
0x12: {  	s1 =	sld [smem:$0x3F9D];
	s0 =	simm.s32 @p0 $0x1  }
0x13: {  	[smem:$0x3FB8] =	sst s0;
	s0 =	simm.s32 @!p1 $0x0  }
0x14: {  	s2 =	sld [smem:$0x3F9C];
	s0 =	simm.s32 @p1 $0x1  }
0x15: {  	[smem:$0x3FB9] =	sst s0;
	s0 =	simm.s32 @!p2 $0x0  }
0x16: {  	s3 =	sld [smem:$0x3FDB];
	s0 =	simm.s32 @p2 $0x1  }
0x17: {  	s4 =	simm.s32 $0x1BF5;
	[smem:$0x3FBB] =	sst s0  }
0x18: {  	s0 =	sld [smem:$0x3F9E];
	_ =	swait.ge [sflag:s4], $0x0  }
0x19: {  	s7 =	sld [smem:$0x3F9F]  }
0x1a: {  	s8 =	sadd.s32 $0xFFFFE003, lr  }
0x1b: {  	s9 =	sadd.s32 $0xFFFFFEF7, lr;
	s5 =	simm.s32 $0xFFFFFFFF;
	p2 =	slt.u32 s8, $0xFFFFF086  }
0x1c: {  	p1 =	slt.u32 s9, $0xF7A;
	s5 =	simm.s32 @!p2 $0x0  }
0x1d: {  	s5 =	simm.s32 @p1 $0x1;
	p0 =	seq.s32 s7, s2  }
0x1e: {  	s7 =	smul.u32 @!p0 $0xF7A, s2;
	p2 =	seq.s32 @!p0 s5, $0x0  }
0x1f: {  	s9 =	smul.u32 $0xF7A, s1;
	s8 =	simm.s32 @!p0 $0x1BF5;
	p2 =	por !p2, p0  }
0x20: {  	[sflag:s8] =	ssyncset.s32 @!p0 $0xFFFFF086;
	s6 =	sadd.s32 @!p0 s3, s7;
	s7 =	simm.s32 @!p0 $0x108  }
0x21: {  	s3 =	sadd.s32 s3, s9;
	s6 =	sadd.s32 @!p0 $0x88, s6;
	s7 =	simm.s32 @p2 $0x1082  }
0x22: {  	[simem:s7], [sflag:s8] =	dma.local @!p0 [hbm:s6], $0xF7A  }
0x23: {  	s9 =	sor.u32 $0xD0000000, s2;
	s6 =	simm.s32 $0x108;
	_ =	swait.ge @!p0 [sflag:s8], $0x0  }
0x24: {  	s3 =	sadd.s32 $0x88, s3;
	s6 =	simm.s32 @!p1 $0x1082;
	[sflag:s4] =	ssyncset.s32 $0xFFFFF086  }
0x25: {  	[simem:s6], [sflag:s4] =	dma.local [hbm:s3], $0xF7A  }
0x26: {  	[smem:$0x3F9F] =	sst s1;
	(tag) =	ssettag s2;
	_ =	strace s9  }
0x27: {  	s1 =	sld [smem:$0x3FAF]  }
0x28: {  	s2 =	sld [smem:$0x3FB0]  }
0x29: {  	s4 =	sld [smem:$0x3FB2]  }
0x2a: {  	p0 =	seq.s32 s5, $0x0;
	s5 =	sld [smem:$0x3FB3]  }
0x2b: {  	s6 =	sld [smem:$0x3FB4]  }
0x2c: {  	s7 =	sld [smem:$0x3FB5]  }
0x2d: {  	s3 =	simm.s32 $0x108;
	s8 =	sld [smem:$0x3FB6]  }
0x2e: {  	s3 =	simm.s32 @!p0 $0x1082;
	s9 =	sld [smem:$0x3FB7]  }
0x2f: {  	lr =	sadd.s32 s0, s3;
	s0 =	sld [smem:$0x3FAE]  }
0x30: {  	s3 =	sld [smem:$0x3FB1]  }
0x31: {  	[smem:$0x3FBA] =	sst s10  }
0x32: {  	s10 =	sld [smem:$0x3FB8];
	_ =	sdelay $0x3  }
0x33: {  	p0 =	seq.s32 s10, $0x1;
	s10 =	sld [smem:$0x3FBA];
	_ =	sdelay $0x3  }
0x34: {  	[smem:$0x3FBA] =	sst s10  }
0x35: {  	s10 =	sld [smem:$0x3FB9];
	_ =	sdelay $0x3  }
0x36: {  	p1 =	seq.s32 s10, $0x1;
	s10 =	sld [smem:$0x3FBA];
	_ =	sdelay $0x3  }
0x37: {  	[smem:$0x3FBA] =	sst s10  }
0x38: {  	s10 =	sld [smem:$0x3FBB]  }
0x39: {  	_ = 	snop;
	(pc) =	sbr.ind lr, $3  }
0x3a: {  	_ = 	snop  }
0x3b: {  	_ = 	snop  }
0x3c: {  	p2 =	seq.s32 s10, $0x1;
	s10 =	sld [smem:$0x3FBA]  }
0x3d: {  	_ =	shalt  }
0x3e: {  	_ =	shalt  }
0x3f: {  	_ =	shalt  }
0x40: {  	_ =	shalt  }
0x41: {  	_ =	shalt  }
0x42: {  	_ =	shalt  }
0x43: {  	_ =	shalt  }
0x44: {  	_ =	shalt  }
0x45: {  	_ =	shalt  }
0x46: {  	_ =	shalt  }
0x47: {  	_ =	shalt  }
0x48: {  	_ =	shalt  }
0x49: {  	_ =	shalt  }
0x4a: {  	_ =	shalt  }
0x4b: {  	_ =	shalt  }
0x4c: {  	_ =	shalt  }
0x4d: {  	_ =	shalt  }
0x4e: {  	_ =	shalt  }
0x4f: {  	_ =	shalt  }
0x50: {  	_ =	shalt  }
0x51: {  	_ =	shalt  }
0x52: {  	_ =	shalt  }
0x53: {  	_ =	shalt  }
0x54: {  	_ =	shalt  }
0x55: {  	_ =	shalt  }
0x56: {  	_ =	shalt  }
0x57: {  	_ =	shalt  }
0x58: {  	_ =	shalt  }
0x59: {  	_ =	shalt  }
0x5a: {  	_ =	shalt  }
0x5b: {  	_ =	shalt  }
0x5c: {  	_ =	shalt  }
0x5d: {  	_ =	shalt  }
0x5e: {  	_ =	shalt  }
0x5f: {  	_ =	shalt  }
0x60: {  	_ =	shalt  }
0x61: {  	_ =	shalt  }
0x62: {  	_ =	shalt  }
0x63: {  	_ =	shalt  }
0x64: {  	_ =	shalt  }
0x65: {  	_ =	shalt  }
0x66: {  	_ =	shalt  }
0x67: {  	_ =	shalt  }
0x68: {  	_ =	shalt  }
0x69: {  	_ =	shalt  }
0x6a: {  	_ =	shalt  }
0x6b: {  	_ =	shalt  }
0x6c: {  	_ =	shalt  }
0x6d: {  	_ =	shalt  }
0x6e: {  	_ =	shalt  }
0x6f: {  	_ =	shalt  }
0x70: {  	_ =	shalt  }
0x71: {  	_ =	shalt  }
0x72: {  	_ =	shalt  }
0x73: {  	_ =	shalt  }
0x74: {  	_ =	shalt  }
0x75: {  	_ =	shalt  }
0x76: {  	_ =	shalt  }
0x77: {  	_ =	shalt  }
0x78: {  	_ =	shalt  }
0x79: {  	_ =	shalt  }
0x7a: {  	_ =	shalt  }
0x7b: {  	_ =	shalt  }
0x7c: {  	_ =	shalt  }
0x7d: {  	_ =	shalt  }
0x7e: {  	_ =	shalt  }
0x7f: {  	_ =	shalt  }
0x80: {  	_ =	shalt  }
0x81: {  	_ =	shalt  }
0x82: {  	_ =	shalt  }
0x83: {  	_ =	shalt  }
0x84: {  	_ =	shalt  }
0x85: {  	_ =	shalt  }
0x86: {  	_ =	shalt  }
0x87: {  	_ =	shalt  }
.Lfunc_end0:
.L_simem_size_0:
called_computation_lowered:
.L_overlay_start_0:
0x88: {  	s2 =	sld [smem:$0x3FD9]  }
0x89: {  	s3 =	sld [smem:$0x3FFE];
	_ =	sdelay $0x1  }
0x8a: {  	s1 =	srdreg.scid  }
0x8b: {  	s0 =	sand.u32 $0x1, s1  }
0x8c: {  	s17 =	sshll.u32 s0, $0xA;
	s2 =	sadd.s32 s3, s2  }
0x8d: {  	s2 =	sadd.s32 s2, s17  }
0x8e: {  	[smem:$0x3FC6] =	sst s2  }
0x8f: {  	_ = 	snop  }
0x90: {  	s2 =	sld [smem:$0x3FC8]  }
0x91: {  	s18 =	sld [smem:$0x3FD0];
	(tm) =	ssettm $0x1  }
0x92: {  	s4 =	sld [smem:$0x3FFB];
	_ =	sdelay $0x3  }
0x93: {  	_ =	strace s4  }
0x94: {  	s4 =	sld [smem:$0x3FFC];
	_ =	sdelay $0x3  }
0x95: {  	_ =	strace s4  }
0x96: {  	s4 =	sld [smem:$0x3FFD];
	_ =	sdelay $0x3  }
0x97: {  	_ =	strace s4  }
0x98: {  	_ =	strace $0x8FFFFFFF  }
0x99: {  	s19 =	sld [smem:$0x3FDB];
	_ =	sdelay $0x1  }
0x9a: {  	s5 =	simm.s32 $_scs_section_size  }
0x9b: {  	s6 =	simm.s32 $_size__tile_overlayer_lowered;
	s7 =	simm.s32 $_tile_overlayer_lowered  }
0x9c: {  	s22 =	simm.s32 $0x1BFF;
	s21 =	sshll.u32 s7, $0x1;
	s4 =	sadd.s32 s5, s19  }
0x9d: {  	s8 =	simm.s32 $0x0;
	s20 =	sshll.u32 s6, $0x1;
	s6 =	sadd.s32 s21, s4  }
0x9e: {  	[timem:s8], [sflag:s22] =	dma.local [hbm:s6], s20  }
0x9f: {  	_ =	swait.ge [sflag:s22], s20  }
0xa0: {  	s5 =	ssub.s32 $0x0, s20;
	[sflag:s22] =	ssyncset.done $0x0  }
0xa1: {  	[sflag:s22] =	ssyncadd.s32 s5;
	_ =	sdelay $0x1  }
0xa2: {  	s23 =	simm.s32 $0x1B8B  }
0xa3: {  	_ =	swait.ge [sflag:s23], $0x1  }
0xa4: {  	[sflag:s23] =	ssyncset.done $0x0  }
0xa5: {  	s25 =	simm.s32 $0x1B8E;
	s24 =	sld [smem:$0x3FFE];
	[sflag:s23] =	ssyncadd.s32 $0xFFFFFFFF  }
0xa6: {  	s26 =	simm.s32 $execute0_lowered;
	[smem:$0x3FD2] =	sst s25  }
0xa7: {  	s6 =	sshll.u32 s26, $0x1;
	_ =	strace $0x80000046;
	[dreg:$0x1] =	wrdreg $0xFFFFFFFF  }
0xa8: {  	s28 =	simm.s32 $_size_execute0_lowered;
	s4 =	sadd.s32 s4, s6;
	[dreg:$0x0] =	wrdreg $0x0  }
0xa9: {  	s6 =	sshll.u32 s28, $0x1;
	[dreg:$0x2] =	wrdreg s4  }
0xaa: {  	[dreg:$0x3] =	wrdreg s6  }
0xab: {  	[dreg:$0x4] =	wrdreg $0xC0  }
0xac: {  	_ =	task [dreg:s8], $0x5FFFF  }
0xad: {  	[dreg:$0x1] =	wrdreg $0xFFFFFFFF  }
0xae: {  	[dreg:$0x0] =	wrdreg $0x60  }
0xaf: {  	[dreg:$0x2] =	wrdreg s2  }
0xb0: {  	[dreg:$0x3] =	wrdreg s24  }
0xb1: {  	[dreg:$0x4] =	wrdreg s18  }
0xb2: {  	[dreg:$0x5] =	wrdreg $0x9  }
0xb3: {  	_ =	task.clear_ibuf [dreg:s8], $0x6FFFF;
	_ =	strace $0x90000046  }
0xb4: {  	s29 =	simm.s32 $0x9;
	_ =	strace $0x80000048  }
0xb5: {  	_ =	swait.ge [sflag:s29], $0x1  }
0xb6: {  	[sflag:s29] =	ssyncadd.s32 $0xFFFFFFFF  }
0xb7: {  	_ =	strace $0x90000048  }
0xb8: {  	_ =	sfence  }
0xb9: {  	s30 =	sld [smem:$0x0];
	_ =	sdelay $0x2  }
0xba: {  	s31 =	sshll.u32 s1, $0xD;
	s1 =	sshrl.u32 s1, $0x2  }
0xbb: {  	s3 =	sand.u32 $0x4000, s31;
	s1 =	sadd.s32 s1, s30  }
0xbc: {  	s0 =	sor.u32 s3, s0;
	s1 =	sshll.u32 s1, $0x11  }
0xbd: {  	s0 =	sor.u32 s1, s0  }
0xbe: {  	s0 =	sadd.s32 $0x8F2B, s0  }
0xbf: {  	[sflag:s0] =	ssyncadd.remote.s32 $0x1  }
0xc0: {  	_ =	sfence.sel $0xFFFF  }
0xc1: {  	[dreg:$0x0] =	wrdreg $0xFFFFFFFF;
	(pc) =	sbr.abs _section_cstart, $3  }
0xc2: {  	[dreg:$0x1] =	wrdreg $0xFFFFFFFF  }
0xc3: {  	_ =	task.clear_ibuf [dreg:s8], $0x2FFFF;
	_ =	strace $0x9FFFFFFF  }
0xc4: {  	(tm) =	ssettm $0x7FFFFFFF  }
0xc5: {  	_ =	shalt  }
tec
execute0_lowered:
.L_overlay_start_1:
0x0: {  	(tag) =	ssettag $0x1  }
0x1: {  	s1 =	rddreg [dreg:$0x0]  }
0x2: {  	s0 =	rddreg [dreg:$0x1]  }
0x3: {  	s2 =	rddreg [dreg:$0x2];
	s3 =	simm.s32 $0x0;
	s4 =	srdreg.scid  }
0x4: {  	s12 =	stileid.u32;
	s13 =	simm.s32 $0x80;
	s28 =	simm.s32 $0x8000  }
0x5: {  	s14 =	simm.s32 $0x4000;
	s29 =	simm.s32 $0xE400;
	s30 =	simm.s32 $0x14800  }
0x6: {  	s31 =	simm.s32 $0x1AC00;
	[smem:$0x7FF] =	sst s3;
	s5 =	smul.u32 $0x1900000, s12  }
0x7: {  	s9 =	sand.u32 $0x1, s4;
	s15 =	sshll.u32 s12, $0xA;
	s22 =	smul.u32 $0x320000, s12  }
0x8: {  	s12 =	simm.s32 $0x1;
	_ =	strace $0x80000047;
	[dreg:$0x5] =	wrdreg s28  }
0x9: {  	s6 =	sshll.u32 s9, $0x9;
	s7 =	smul.u32 $0xC80000, s9;
	[dreg:$0x6] =	wrdreg s29  }
0xa: {  	s16 =	ssub.s32 $0x2, s9;
	s24 =	smul.u32 $0x190000, s9;
	[dreg:$0x7] =	wrdreg s30  }
0xb: {  	[dreg:$0x8] =	wrdreg s31;
	s4 =	sor.u32 s6, s15;
	s10 =	sshrl.u32 s16, $0x1  }
0xc: {  	s6 =	sadd.s32 $0x800, s0;
	s15 =	simm.s32 $0x48;
	s8 =	sshll.u32 s4, $0x5  }
0xd: {  	s11 =	sadd.s32 s7, s5;
	s18 =	ssub.s32 s16, s10;
	s16 =	simm.s32 $0xA400  }
0xe: {  	s17 =	sadd.s32 s8, s0;
	s19 =	sor.u32 $0x12C00, s11;
	s21 =	smax.u32 s18, $0x1  }
0xf: {  	s23 =	sor.u32 $0xC800, s11;
	s11 =	sor.u32 $0x6400, s11;
	s0 =	sadd.s32 s22, s2  }
0x10: {  	s18 =	simm.s32 $0x16C00;
	s5 =	sadd.s32 $0x400, s17;
	s20 =	sshrl.u32 s19, $0x3  }
0x11: {  	[dreg:$0xa] =	wrdreg s21;
	s25 =	sshrl.u32 s23, $0x3;
	s26 =	sshrl.u32 s11, $0x3  }
0x12: {  	s11 =	sadd.s32 s24, s0;
	s17 =	simm.s32 $0x10800;
	s19 =	simm.s32 $0x2  }
0x13: {  	s21 =	simm.s32 $0x0;
	[dreg:$0x9] =	wrdreg s5;
	s8 =	sadd.s32 s20, s2  }
0x14: {  	s9 =	sadd.s32 s25, s2;
	s10 =	sadd.s32 s26, s2;
	s20 =	simm.s32 $0x3  }
.LBB2_1:
0x15: {  	s0 =	rddreg [dreg:$0x9];
	s22 =	smov.u32 s11;
	s23 =	smov.u32 s10  }
0x16: {  	s24 =	smov.u32 s9;
	s25 =	smov.u32 s8;
	s26 =	simm.s32 $0x0  }
0x17: {  	[tilespmem:s3], [sflag:$0x1] =	stream.linear.gather [hbm4b:s0+s3], $0x2000, $0x38;
	[tilespmem:$0x1D000] =	vst v63  }
.LBB2_3:
0x18: {  	s0 =	sshll.u32 s26, $0x5  }
0x19: {  	_ =	swait.ge [sflag:s12], $0x2000;
	s2 =	sand.u32 $0x1, s26;
	p0 =	seq.s32 s26, $0xF  }
0x1a: {  	s0 =	sadd.s32 s4, s0;
	[sflag:s12] =	ssyncset.done $0x0;
	s28 =	sshll.u32 @!p0 s2, $0xD  }
0x1b: {  	s29 =	simm.s32 @!p0 $0x0;
	s2 =	sshll.u32 s2, $0xD;
	s0 =	sshll.u32 @!p0 s0, $0x5  }
0x1c: {  	[sflag:s12] =	ssyncadd.s32 $0xFFFFE000;
	s28 =	sxor.u32 @!p0 $0x2000, s28;
	s0 =	sadd.s32 @!p0 s0, s6  }
0x1d: {  	[tilespmem:s28], [sflag:$0x1] =	stream.linear.gather @!p0 [hbm4b:s0+s29], $0x2000, $0x38;
	[tilespmem:$0x1D000] =	vst v63  }
0x1e: {  	[dreg:$0x4] =	wrdreg s2;
	s28 =	simm.s32 $0x0  }
0x1f: {  	s0 =	rddreg [dreg:$0x4];
	s5 =	sand.u32 $0x1800, s28  }
0x20: {  	s29 =	sand.u32 $0x200, s28;
	s0 =	sadd.s32 s5, s0  }
0x21: {  	s0 =	sadd.s32 s29, s0  }
0x22: {  	[tilespmem:s14], [sflag:$0x2] =	stream.indirect.gather [hbm4b:s1+s13], $0x80, s0, s13, $0xb8;
	[tilespmem:$0x1D000] =	vst v63  }
0x23: {  	s7 =	rddreg [dreg:$0x5];
	s29 =	sadd.s32 $0x400, s0  }
0x24: {  	[tilespmem:s7], [sflag:$0x2] =	stream.indirect.gather [hbm4b:s1+s15], $0x80, s29, s15, $0xb8;
	[tilespmem:$0x1D000] =	vst v63  }
0x25: {  	s5 =	sadd.s32 $0x80, s0  }
0x26: {  	[tilespmem:s16], [sflag:$0x2] =	stream.indirect.gather [hbm4b:s1+s13], $0x80, s5, s13, $0xb8;
	[tilespmem:$0x1D000] =	vst v63  }
0x27: {  	s29 =	rddreg [dreg:$0x6];
	s7 =	sadd.s32 $0x480, s0  }
0x28: {  	[tilespmem:s29], [sflag:$0x2] =	stream.indirect.gather [hbm4b:s1+s15], $0x80, s7, s15, $0xb8;
	[tilespmem:$0x1D000] =	vst v63  }
0x29: {  	s5 =	sadd.s32 $0x100, s0  }
0x2a: {  	[tilespmem:s17], [sflag:$0x2] =	stream.indirect.gather [hbm4b:s1+s13], $0x80, s5, s13, $0xb8;
	[tilespmem:$0x1D000] =	vst v63  }
0x2b: {  	s29 =	rddreg [dreg:$0x7];
	s7 =	sadd.s32 $0x500, s0  }
0x2c: {  	[tilespmem:s29], [sflag:$0x2] =	stream.indirect.gather [hbm4b:s1+s15], $0x80, s7, s15, $0xb8;
	[tilespmem:$0x1D000] =	vst v63  }
0x2d: {  	s5 =	sadd.s32 $0x180, s0  }
0x2e: {  	[tilespmem:s18], [sflag:$0x2] =	stream.indirect.gather [hbm4b:s1+s13], $0x80, s5, s13, $0xb8;
	[tilespmem:$0x1D000] =	vst v63  }
0x2f: {  	s0 =	sadd.s32 $0x580, s0;
	s29 =	rddreg [dreg:$0x8]  }
0x30: {  	[tilespmem:s29], [sflag:$0x2] =	stream.indirect.gather [hbm4b:s1+s15], $0x80, s0, s15, $0xb8;
	[tilespmem:$0x1D000] =	vst v63  }
0x31: {  	_ =	swait.ge [sflag:s19], $0x4000  }
0x32: {  	[sflag:s19] =	ssyncset.done $0x0  }
0x33: {  	[sflag:s19] =	ssyncadd.s32 $0xFFFFC000  }
0x34: {  	_ =	swait.ge [sflag:s19], $0x2400  }
0x35: {  	[sflag:s19] =	ssyncset.done $0x0  }
0x36: {  	s7 =	sadd.s32 $0x0, s22;
	[sflag:s19] =	ssyncadd.s32 $0xFFFFDC00  }
0x37: {  	[hbm4b:s7+s3] =	stream.linear.scatter [tilespmem:s14], [sflag:$0x3], $0x6400, $0x38;
	[tilespmem:$0x1D000] =	vst v63  }
0x38: {  	_ =	swait.ge [sflag:s19], $0x4000  }
0x39: {  	[sflag:s19] =	ssyncset.done $0x0  }
0x3a: {  	[sflag:s19] =	ssyncadd.s32 $0xFFFFC000  }
0x3b: {  	_ =	swait.ge [sflag:s19], $0x2400  }
0x3c: {  	[sflag:s19] =	ssyncset.done $0x0  }
0x3d: {  	s2 =	sadd.s32 $0x0, s23;
	[sflag:s19] =	ssyncadd.s32 $0xFFFFDC00  }
0x3e: {  	[hbm4b:s2+s3] =	stream.linear.scatter [tilespmem:s16], [sflag:$0x3], $0x6400, $0x38;
	[tilespmem:$0x1D000] =	vst v63  }
0x3f: {  	_ =	swait.ge [sflag:s19], $0x4000  }
0x40: {  	[sflag:s19] =	ssyncset.done $0x0  }
0x41: {  	[sflag:s19] =	ssyncadd.s32 $0xFFFFC000  }
0x42: {  	_ =	swait.ge [sflag:s19], $0x2400  }
0x43: {  	[sflag:s19] =	ssyncset.done $0x0  }
0x44: {  	s5 =	sadd.s32 $0x0, s24;
	[sflag:s19] =	ssyncadd.s32 $0xFFFFDC00  }
0x45: {  	[hbm4b:s5+s3] =	stream.linear.scatter [tilespmem:s17], [sflag:$0x3], $0x6400, $0x38;
	[tilespmem:$0x1D000] =	vst v63  }
0x46: {  	_ =	swait.ge [sflag:s19], $0x4000  }
0x47: {  	[sflag:s19] =	ssyncset.done $0x0  }
0x48: {  	[sflag:s19] =	ssyncadd.s32 $0xFFFFC000  }
0x49: {  	_ =	swait.ge [sflag:s19], $0x2400  }
0x4a: {  	[sflag:s19] =	ssyncset.done $0x0  }
0x4b: {  	s7 =	sadd.s32 $0x0, s25;
	[sflag:s19] =	ssyncadd.s32 $0xFFFFDC00  }
0x4c: {  	[hbm4b:s7+s3] =	stream.linear.scatter [tilespmem:s18], [sflag:$0x3], $0x6400, $0x38;
	[tilespmem:$0x1D000] =	vst v63  }
0x4d: {  	_ =	swait.ge [sflag:s20], $0x6400  }
0x4e: {  	[sflag:s20] =	ssyncset.done $0x0  }
0x4f: {  	[sflag:s20] =	ssyncadd.s32 $0xFFFF9C00  }
0x50: {  	_ =	swait.ge [sflag:s20], $0x6400  }
0x51: {  	[sflag:s20] =	ssyncset.done $0x0  }
0x52: {  	[sflag:s20] =	ssyncadd.s32 $0xFFFF9C00  }
0x53: {  	_ =	swait.ge [sflag:s20], $0x6400  }
0x54: {  	[sflag:s20] =	ssyncset.done $0x0  }
0x55: {  	s26 =	sadd.s32 $0x1, s26;
	[sflag:s20] =	ssyncadd.s32 $0xFFFF9C00  }
0x56: {  	s30 =	simm.s32 $0x6400;
	s31 =	simm.s32 $0x0;
	_ =	swait.ge [sflag:s20], $0x6400  }
0x57: {  	s29 =	simm.s32 $0x3200;
	s2 =	rddreg [dreg:$0x4];
	[sflag:s20] =	ssyncset.done $0x0  }
.LBB2_4:
0x58: {  	s31 =	sadd.s32 $0x400, s31  }
0x59: {  	s28 =	sadd.s32 $0x200, s28;
	s5 =	sand.u32 $0x1800, s31  }
0x5a: {  	s7 =	sand.u32 $0x200, s28;
	s2 =	sadd.s32 s5, s2  }
0x5b: {  	[sflag:s20] =	ssyncadd.s32 $0xFFFF9C00;
	s2 =	sadd.s32 s7, s2  }
0x5c: {  	[tilespmem:s14], [sflag:$0x2] =	stream.indirect.gather [hbm4b:s1+s13], $0x80, s2, s13, $0xb8;
	[tilespmem:$0x1D000] =	vst v63  }
0x5d: {  	s5 =	rddreg [dreg:$0x5];
	s7 =	sadd.s32 $0x400, s2  }
0x5e: {  	[tilespmem:s5], [sflag:$0x2] =	stream.indirect.gather [hbm4b:s1+s15], $0x80, s7, s15, $0xb8;
	[tilespmem:$0x1D000] =	vst v63  }
0x5f: {  	s5 =	sadd.s32 $0x80, s2  }
0x60: {  	[tilespmem:s16], [sflag:$0x2] =	stream.indirect.gather [hbm4b:s1+s13], $0x80, s5, s13, $0xb8;
	[tilespmem:$0x1D000] =	vst v63  }
0x61: {  	s7 =	rddreg [dreg:$0x6];
	s5 =	sadd.s32 $0x480, s2  }
0x62: {  	[tilespmem:s7], [sflag:$0x2] =	stream.indirect.gather [hbm4b:s1+s15], $0x80, s5, s15, $0xb8;
	[tilespmem:$0x1D000] =	vst v63  }
0x63: {  	s5 =	sadd.s32 $0x100, s2  }
0x64: {  	[tilespmem:s17], [sflag:$0x2] =	stream.indirect.gather [hbm4b:s1+s13], $0x80, s5, s13, $0xb8;
	[tilespmem:$0x1D000] =	vst v63  }
0x65: {  	s7 =	rddreg [dreg:$0x7];
	s5 =	sadd.s32 $0x500, s2  }
0x66: {  	[tilespmem:s7], [sflag:$0x2] =	stream.indirect.gather [hbm4b:s1+s15], $0x80, s5, s15, $0xb8;
	[tilespmem:$0x1D000] =	vst v63  }
0x67: {  	s5 =	sadd.s32 $0x180, s2  }
0x68: {  	[tilespmem:s18], [sflag:$0x2] =	stream.indirect.gather [hbm4b:s1+s13], $0x80, s5, s13, $0xb8;
	[tilespmem:$0x1D000] =	vst v63  }
0x69: {  	s7 =	rddreg [dreg:$0x8];
	s2 =	sadd.s32 $0x580, s2  }
0x6a: {  	[tilespmem:s7], [sflag:$0x2] =	stream.indirect.gather [hbm4b:s1+s15], $0x80, s2, s15, $0xb8;
	[tilespmem:$0x1D000] =	vst v63  }
0x6b: {  	_ =	swait.ge [sflag:s19], $0x4000  }
0x6c: {  	[sflag:s19] =	ssyncset.done $0x0  }
0x6d: {  	[sflag:s19] =	ssyncadd.s32 $0xFFFFC000  }
0x6e: {  	_ =	swait.ge [sflag:s19], $0x2400  }
0x6f: {  	[sflag:s19] =	ssyncset.done $0x0  }
0x70: {  	s5 =	sadd.s32 s29, s22;
	[sflag:s19] =	ssyncadd.s32 $0xFFFFDC00  }
0x71: {  	[hbm4b:s5+s3] =	stream.linear.scatter [tilespmem:s14], [sflag:$0x3], $0x6400, $0x38;
	[tilespmem:$0x1D000] =	vst v63  }
0x72: {  	_ =	swait.ge [sflag:s19], $0x4000  }
0x73: {  	[sflag:s19] =	ssyncset.done $0x0  }
0x74: {  	[sflag:s19] =	ssyncadd.s32 $0xFFFFC000  }
0x75: {  	_ =	swait.ge [sflag:s19], $0x2400  }
0x76: {  	[sflag:s19] =	ssyncset.done $0x0  }
0x77: {  	s7 =	sadd.s32 s29, s23;
	[sflag:s19] =	ssyncadd.s32 $0xFFFFDC00  }
0x78: {  	[hbm4b:s7+s3] =	stream.linear.scatter [tilespmem:s16], [sflag:$0x3], $0x6400, $0x38;
	[tilespmem:$0x1D000] =	vst v63  }
0x79: {  	_ =	swait.ge [sflag:s19], $0x4000  }
0x7a: {  	[sflag:s19] =	ssyncset.done $0x0  }
0x7b: {  	[sflag:s19] =	ssyncadd.s32 $0xFFFFC000  }
0x7c: {  	_ =	swait.ge [sflag:s19], $0x2400  }
0x7d: {  	[sflag:s19] =	ssyncset.done $0x0  }
0x7e: {  	s5 =	sadd.s32 s29, s24;
	[sflag:s19] =	ssyncadd.s32 $0xFFFFDC00  }
0x7f: {  	[hbm4b:s5+s3] =	stream.linear.scatter [tilespmem:s17], [sflag:$0x3], $0x6400, $0x38;
	[tilespmem:$0x1D000] =	vst v63  }
0x80: {  	_ =	swait.ge [sflag:s19], $0x4000  }
0x81: {  	[sflag:s19] =	ssyncset.done $0x0  }
0x82: {  	[sflag:s19] =	ssyncadd.s32 $0xFFFFC000  }
0x83: {  	_ =	swait.ge [sflag:s19], $0x2400  }
0x84: {  	[sflag:s19] =	ssyncset.done $0x0  }
0x85: {  	s7 =	sadd.s32 s29, s25;
	[sflag:s19] =	ssyncadd.s32 $0xFFFFDC00  }
0x86: {  	[hbm4b:s7+s3] =	stream.linear.scatter [tilespmem:s18], [sflag:$0x3], $0x6400, $0x38;
	[tilespmem:$0x1D000] =	vst v63  }
0x87: {  	_ =	swait.ge [sflag:s20], $0x6400  }
0x88: {  	[sflag:s20] =	ssyncset.done $0x0  }
0x89: {  	[sflag:s20] =	ssyncadd.s32 $0xFFFF9C00  }
0x8a: {  	_ =	swait.ge [sflag:s20], $0x6400  }
0x8b: {  	[sflag:s20] =	ssyncset.done $0x0  }
0x8c: {  	p0 =	seq.s32 s30, $0x15E00;
	[sflag:s20] =	ssyncadd.s32 $0xFFFF9C00  }
.Ltmp0:
0x8d: {  	_ =	swait.ge [sflag:s20], $0x6400;
	(pc) =	sbr.rel @!p0 .LBB2_4-.Ltmp0, $4  }
0x8e: {  	[sflag:s20] =	ssyncset.done $0x0  }
0x8f: {  	[sflag:s20] =	ssyncadd.s32 $0xFFFF9C00  }
0x90: {  	s0 =	smov.u32 s30;
	s30 =	sadd.s32 $0x3200, s30;
	_ =	swait.ge [sflag:s20], $0x6400  }
0x91: {  	s29 =	smov.u32 s0;
	s2 =	rddreg [dreg:$0x4];
	[sflag:s20] =	ssyncset.done $0x0  }
0x92: {  	s0 =	sadd.s32 $0x400, s31  }
0x93: {  	s5 =	sadd.s32 $0x200, s28;
	s0 =	sand.u32 $0x1800, s0  }
0x94: {  	s5 =	sand.u32 $0x200, s5;
	s0 =	sadd.s32 s0, s2  }
0x95: {  	[sflag:s20] =	ssyncadd.s32 $0xFFFF9C00;
	s0 =	sadd.s32 s5, s0  }
0x96: {  	[tilespmem:s14], [sflag:$0x2] =	stream.indirect.gather [hbm4b:s1+s13], $0x80, s0, s13, $0xb8;
	[tilespmem:$0x1D000] =	vst v63  }
0x97: {  	s7 =	rddreg [dreg:$0x5];
	s5 =	sadd.s32 $0x400, s0  }
0x98: {  	[tilespmem:s7], [sflag:$0x2] =	stream.indirect.gather [hbm4b:s1+s15], $0x80, s5, s15, $0xb8;
	[tilespmem:$0x1D000] =	vst v63  }
0x99: {  	s28 =	sadd.s32 $0x80, s0  }
0x9a: {  	[tilespmem:s16], [sflag:$0x2] =	stream.indirect.gather [hbm4b:s1+s13], $0x80, s28, s13, $0xb8;
	[tilespmem:$0x1D000] =	vst v63  }
0x9b: {  	s30 =	rddreg [dreg:$0x6];
	s31 =	sadd.s32 $0x480, s0  }
0x9c: {  	[tilespmem:s30], [sflag:$0x2] =	stream.indirect.gather [hbm4b:s1+s15], $0x80, s31, s15, $0xb8;
	[tilespmem:$0x1D000] =	vst v63  }
0x9d: {  	s5 =	sadd.s32 $0x100, s0  }
0x9e: {  	[tilespmem:s17], [sflag:$0x2] =	stream.indirect.gather [hbm4b:s1+s13], $0x80, s5, s13, $0xb8;
	[tilespmem:$0x1D000] =	vst v63  }
0x9f: {  	s7 =	rddreg [dreg:$0x7];
	s28 =	sadd.s32 $0x500, s0  }
0xa0: {  	[tilespmem:s7], [sflag:$0x2] =	stream.indirect.gather [hbm4b:s1+s15], $0x80, s28, s15, $0xb8;
	[tilespmem:$0x1D000] =	vst v63  }
0xa1: {  	s30 =	sadd.s32 $0x180, s0  }
0xa2: {  	[tilespmem:s18], [sflag:$0x2] =	stream.indirect.gather [hbm4b:s1+s13], $0x80, s30, s13, $0xb8;
	[tilespmem:$0x1D000] =	vst v63  }
0xa3: {  	s31 =	rddreg [dreg:$0x8];
	s0 =	sadd.s32 $0x580, s0  }
0xa4: {  	[tilespmem:s31], [sflag:$0x2] =	stream.indirect.gather [hbm4b:s1+s15], $0x80, s0, s15, $0xb8;
	[tilespmem:$0x1D000] =	vst v63  }
0xa5: {  	_ =	swait.ge [sflag:s19], $0x4000  }
0xa6: {  	[sflag:s19] =	ssyncset.done $0x0  }
0xa7: {  	[sflag:s19] =	ssyncadd.s32 $0xFFFFC000  }
0xa8: {  	_ =	swait.ge [sflag:s19], $0x2400  }
0xa9: {  	[sflag:s19] =	ssyncset.done $0x0  }
0xaa: {  	s7 =	sadd.s32 s29, s22;
	[sflag:s19] =	ssyncadd.s32 $0xFFFFDC00  }
0xab: {  	[hbm4b:s7+s3] =	stream.linear.scatter [tilespmem:s14], [sflag:$0x3], $0x6400, $0x38;
	[tilespmem:$0x1D000] =	vst v63  }
0xac: {  	_ =	swait.ge [sflag:s19], $0x4000  }
0xad: {  	[sflag:s19] =	ssyncset.done $0x0  }
0xae: {  	[sflag:s19] =	ssyncadd.s32 $0xFFFFC000  }
0xaf: {  	_ =	swait.ge [sflag:s19], $0x2400  }
0xb0: {  	[sflag:s19] =	ssyncset.done $0x0  }
0xb1: {  	s28 =	sadd.s32 s29, s23;
	[sflag:s19] =	ssyncadd.s32 $0xFFFFDC00  }
0xb2: {  	[hbm4b:s28+s3] =	stream.linear.scatter [tilespmem:s16], [sflag:$0x3], $0x6400, $0x38;
	[tilespmem:$0x1D000] =	vst v63  }
0xb3: {  	_ =	swait.ge [sflag:s19], $0x4000  }
0xb4: {  	[sflag:s19] =	ssyncset.done $0x0  }
0xb5: {  	[sflag:s19] =	ssyncadd.s32 $0xFFFFC000  }
0xb6: {  	_ =	swait.ge [sflag:s19], $0x2400  }
0xb7: {  	[sflag:s19] =	ssyncset.done $0x0  }
0xb8: {  	s30 =	sadd.s32 s29, s24;
	[sflag:s19] =	ssyncadd.s32 $0xFFFFDC00  }
0xb9: {  	[hbm4b:s30+s3] =	stream.linear.scatter [tilespmem:s17], [sflag:$0x3], $0x6400, $0x38;
	[tilespmem:$0x1D000] =	vst v63  }
0xba: {  	_ =	swait.ge [sflag:s19], $0x4000  }
0xbb: {  	[sflag:s19] =	ssyncset.done $0x0  }
0xbc: {  	[sflag:s19] =	ssyncadd.s32 $0xFFFFC000  }
0xbd: {  	_ =	swait.ge [sflag:s19], $0x2400  }
0xbe: {  	[sflag:s19] =	ssyncset.done $0x0  }
0xbf: {  	s31 =	sadd.s32 s29, s25;
	[sflag:s19] =	ssyncadd.s32 $0xFFFFDC00  }
0xc0: {  	[hbm4b:s31+s3] =	stream.linear.scatter [tilespmem:s18], [sflag:$0x3], $0x6400, $0x38;
	[tilespmem:$0x1D000] =	vst v63  }
0xc1: {  	_ =	swait.ge [sflag:s20], $0x6400  }
0xc2: {  	[sflag:s20] =	ssyncset.done $0x0  }
0xc3: {  	[sflag:s20] =	ssyncadd.s32 $0xFFFF9C00  }
0xc4: {  	_ =	swait.ge [sflag:s20], $0x6400  }
0xc5: {  	[sflag:s20] =	ssyncset.done $0x0  }
0xc6: {  	[sflag:s20] =	ssyncadd.s32 $0xFFFF9C00  }
0xc7: {  	_ =	swait.ge [sflag:s20], $0x6400  }
0xc8: {  	[sflag:s20] =	ssyncset.done $0x0  }
0xc9: {  	[sflag:s20] =	ssyncadd.s32 $0xFFFF9C00  }
0xca: {  	_ =	swait.ge [sflag:s20], $0x6400  }
0xcb: {  	[sflag:s20] =	ssyncset.done $0x0  }
0xcc: {  	[sflag:s20] =	ssyncadd.s32 $0xFFFF9C00  }
0xcd: {  	p0 =	seq.s32 s26, $0x10  }
.Ltmp1:
0xce: {  	_ = 	snop;
	(pc) =	sbr.rel @!p0 .LBB2_3-.Ltmp1, $3  }
0xcf: {  	_ =	sdelay $0x1  }
0xd0: {  	s25 =	sadd.s32 $0x19000, s25  }
0xd1: {  	s24 =	sadd.s32 $0x19000, s24;
	s23 =	sadd.s32 $0x19000, s23;
	s22 =	sadd.s32 $0x19000, s22  }
0xd2: {  	s21 =	sadd.s32 $0x1, s21;
	s0 =	rddreg [dreg:$0xa]  }
0xd3: {  	p0 =	sne.s32 s21, s0  }
.Ltmp2:
0xd4: {  	_ = 	snop;
	(pc) =	sbr.rel @p0 .LBB2_1-.Ltmp2, $1  }
0xd5: {  	_ =	sdelay $0x3  }
0xd6: {  	_ =	sfence.sel $0x180000  }
0xd7: {  	[bflag:$0x0] =	sbarrier.arrive $0xFFFF  }
0xd8: {  	_ =	strace $0x90000047  }
0xd9: {  	s0 =	stileid.u32;
	[bflag:$0x2] =	sbarrier.arrive $0xFFFF  }
0xda: {  	p0 =	sne.s32 s0, $0x0;
	s0 =	rddreg [dreg:$0x3]  }
0xdb: {  	s0 =	sadd.s32 @!p0 $0x100000, s0  }
0xdc: {  	[sflag:s0] =	ssyncadd.tile.s32 @!p0 $0x1;
	_ =	shalt  }
.Lfunc_end2:
_tile_overlayer_lowered:
.L_overlay_start_2:
0xdd: {  	(tag) =	ssettag $0x2  }
0xde: {  	s0 =	rddreg [dreg:$0x0];
	s2 =	stileid.u32  }
0xdf: {  	s1 =	rddreg [dreg:$0x1];
	p0 =	sne.s32 s2, $0x0  }
0xe0: {  	s3 =	rddreg [dreg:$0x2];
	[bflag:$0x3] =	sbarrier.arrive $0xFFFF;
	s2 =	simm.s32 @!p0 $0x1C04  }
0xe1: {  	[timem:s3], [sflag:s2] =	dma.local @!p0 [hbm:s0], s1  }
0xe2: {  	s0 =	simm.s32 @!p0 $0x4  }
0xe3: {  	_ =	swait.ge @!p0 [sflag:s0], s1  }
0xe4: {  	s1 =	ssub.s32 @!p0 $0x0, s1;
	[sflag:s0] =	ssyncset.done @!p0 $0x0  }
0xe5: {  	[sflag:s0] =	ssyncadd.s32 @!p0 s1  }
0xe6: {  	[bflag:$0x3] =	sbarrier.arrive $0xFFFF  }
0xe7: {  	_ =	shalt  }

</sc_bundles>
